<compile_context>
chip_gen: v7x
topology: tpu7x:2x2x1
jax: 0.10.2.dev20260603
libtpu: 0.0.44.dev20260713+nightly
codegen_flags: <defaults>
</compile_context>

<pallas_src>
import jax
import jax.numpy as jnp
from jax import lax
from jax.experimental import pallas as pl
from jax.experimental.pallas import tpu as pltpu
from jax.experimental.pallas import tpu_sc as plsc

_NC = 2
_NS = 16
_L = 16
_C = 40


def _sc_agg(x, src, dst, edge_attr, zrows):
    N, D = x.shape
    E = src.shape[0]
    assert E % (_C * _NC * _NS) == 0 and D % _L == 0
    kpt = E // (_C * _NC * _NS)
    assert kpt % 2 == 0
    npad = -(-N // (8 * _NS)) * (8 * _NS)
    rps = npad // _NS

    def body(x_hbm, src_hbm, dst_hbm, attr_hbm, z_hbm, out_hbm,
             src0, src1, dst0, dst1, dst2, dst3, rows0, rows1,
             attr0, attr1, msg0, msg1, acc,
             l0, l1, g0, g1, s0, s1, d0, d1, d2, d3):
        cid = lax.axis_index("c")
        sid = lax.axis_index("s")
        wid = sid * _NC + cid
        srcs, dsts = (src0, src1), (dst0, dst1, dst2, dst3)
        rowss, attrs = (rows0, rows1), (attr0, attr1)
        msgs = (msg0, msg1)
        lsems, gsems, ssems = (l0, l1), (g0, g1), (s0, s1)
        dsems = (d0, d1, d2, d3)

        r0 = sid * rps
        pltpu.sync_copy(z_hbm, acc.at[pl.ds(r0, rps), :])
        plsc.subcore_barrier()

        def loads(b, ds, k, issue):
            base = (wid * kpt + k) * _C
            pairs = ((src_hbm.at[pl.ds(base, _C)], srcs[b], lsems[b]),
                     (attr_hbm.at[pl.ds(base, _C), :], attrs[b], lsems[b]),
                     (dst_hbm.at[pl.ds(base, _C)], dsts[ds], dsems[ds]))
            for s_ref, d_ref, sem in pairs:
                if issue:
                    pltpu.async_copy(s_ref, d_ref, sem)
                else:
                    pltpu.make_async_copy(s_ref, d_ref, sem).wait()

        def gather(b, issue):
            if issue:
                pltpu.async_copy(x_hbm.at[srcs[b]], rowss[b], gsems[b])
            else:
                pltpu.make_async_copy(x_hbm.at[srcs[b]], rowss[b], gsems[b]).wait()

        def scat(b, ds, issue):
            if issue:
                pltpu.async_copy(msgs[b], acc.at[dsts[ds]], ssems[b], add=True)
            else:
                pltpu.make_async_copy(msgs[b], acc.at[dsts[ds]], ssems[b]).wait()

        loads(0, 0, 0, True)
        loads(1, 1, 1, True)
        loads(0, 0, 0, False)
        gather(0, True)

        def outer(g, _):
            for b in range(2):
                k = 2 * g + b
                nb = 1 - b
                gather(b, False)

                for p in range(2):
                    on = (g % 2) == p

                    @pl.when((k + 1 < kpt) & on)
                    def _(b=b, nb=nb, k=k, p=p):
                        ds1 = (nb + 2 * p) if b == 0 else 2 * (1 - p)
                        loads(nb, ds1, k + 1, False)
                        gather(nb, True)

                    @pl.when((k >= 2) & on)
                    def _(b=b, k=k, p=p):
                        scat(b, b + 2 * (1 - p), False)

                @plsc.parallel_loop(0, _C, unroll=4)
                def _(e):
                    for j in range(D // _L):
                        s = pl.ds(j * _L, _L)
                        msgs[b][e, s] = jnp.maximum(
                            rowss[b][e, s] + attrs[b][e, s], 0.0)

                for p in range(2):
                    on = (g % 2) == p

                    @pl.when(on)
                    def _(b=b, k=k, p=p):
                        scat(b, b + 2 * p, True)

                    @pl.when((k + 2 < kpt) & on)
                    def _(b=b, k=k, p=p):
                        loads(b, b + 2 * (1 - p), k + 2, True)
            return 0
        lax.fori_loop(0, kpt // 2, outer, 0)
        assert kpt % 4 == 2
        scat(0, 0, False)
        scat(1, 1, False)

        plsc.subcore_barrier()
        pltpu.sync_copy(acc.at[pl.ds(r0, rps), :],
                        out_hbm.at[cid, pl.ds(r0, rps), :])

    mesh = plsc.VectorSubcoreMesh(core_axis_name="c", subcore_axis_name="s")
    return pl.kernel(
        body,
        out_type=jax.ShapeDtypeStruct((_NC, npad, D), jnp.float32),
        mesh=mesh,
        scratch_types=[
            pltpu.VMEM((_C,), jnp.int32),
            pltpu.VMEM((_C,), jnp.int32),
            pltpu.VMEM((_C,), jnp.int32),
            pltpu.VMEM((_C,), jnp.int32),
            pltpu.VMEM((_C,), jnp.int32),
            pltpu.VMEM((_C,), jnp.int32),
            pltpu.VMEM((_C, D), jnp.float32),
            pltpu.VMEM((_C, D), jnp.float32),
            pltpu.VMEM((_C, D), jnp.float32),
            pltpu.VMEM((_C, D), jnp.float32),
            pltpu.VMEM((_C, D), jnp.float32),
            pltpu.VMEM((_C, D), jnp.float32),
            pltpu.VMEM_SHARED((npad, D), jnp.float32),
            pltpu.SemaphoreType.DMA,
            pltpu.SemaphoreType.DMA,
            pltpu.SemaphoreType.DMA,
            pltpu.SemaphoreType.DMA,
            pltpu.SemaphoreType.DMA,
            pltpu.SemaphoreType.DMA,
            pltpu.SemaphoreType.DMA,
            pltpu.SemaphoreType.DMA,
            pltpu.SemaphoreType.DMA,
            pltpu.SemaphoreType.DMA,
        ],
    )(x, src, dst, edge_attr, zrows)


def _mlp_body(x_ref, parts_ref, w1_ref, b1_ref, w2_ref, b2_ref, o_ref):
    h = x_ref[...] + parts_ref[0] + parts_ref[1]
    t = jnp.dot(h, w1_ref[...], preferred_element_type=jnp.float32,
                precision=jax.lax.Precision.HIGHEST) + b1_ref[...]
    t = jnp.maximum(t, 0.0)
    o_ref[...] = jnp.dot(t, w2_ref[...], preferred_element_type=jnp.float32,
                         precision=jax.lax.Precision.HIGHEST) + b2_ref[...]


def _tc_mlp(x, parts, W1, b1, W2, b2):
    N, D = x.shape
    R = 1000
    assert N % R == 0
    return pl.pallas_call(
        _mlp_body,
        grid=(N // R,),
        in_specs=[
            pl.BlockSpec((R, D), lambda i: (i, 0)),
            pl.BlockSpec((_NC, R, D), lambda i: (0, i, 0)),
            pl.BlockSpec((D, D), lambda i: (0, 0)),
            pl.BlockSpec((1, D), lambda i: (0, 0)),
            pl.BlockSpec((D, D), lambda i: (0, 0)),
            pl.BlockSpec((1, D), lambda i: (0, 0)),
        ],
        out_specs=pl.BlockSpec((R, D), lambda i: (i, 0)),
        out_shape=jax.ShapeDtypeStruct((N, D), jnp.float32),
    )(x, parts, W1, b1.reshape(1, D), W2, b2.reshape(1, D))


def kernel(x, edge_index, edge_attr, W1, b1, W2, b2):
    src = edge_index[0]
    dst = edge_index[1]
    N, D = x.shape
    npad = -(-N // (8 * _NS)) * (8 * _NS)
    zrows = jnp.zeros((npad // _NS, D), jnp.float32)
    parts = _sc_agg(x, src, dst, edge_attr, zrows)
    return _tc_mlp(x, parts, W1, b1, W2, b2)

# --- scband reference (transcript-rebuilt; emitter-appended) ---
"""Pipeline reference for scband-gineconv-graph-gym-layer-13048110645793 (READ-ONLY COPY).

The authoritative reference and input builder live on the scoring server;
editing this copy changes nothing except your own understanding.
"""

import jax, jax.numpy as jnp
import numpy as np

N = 10000
E = 320000
D = 128

def setup_inputs(seed: int = 0) -> dict:
    key = jax.random.key(seed)
    k1, k2, k3, k4, k5, k6, k7 = jax.random.split(key, 7)
    x = jax.random.normal(k1, (N, D), dtype=jnp.float32)
    edge_index = jax.random.randint(k2, (2, E), 0, N, dtype=jnp.int32)
    edge_attr = jax.random.normal(k3, (E, D), dtype=jnp.float32)
    # MLP params for gin_nn: Linear(D->D) -> ReLU -> Linear(D->D)
    W1 = jax.random.normal(k4, (D, D), dtype=jnp.float32) * 0.05
    b1 = jnp.zeros((D,), dtype=jnp.float32)
    W2 = jax.random.normal(k5, (D, D), dtype=jnp.float32) * 0.05
    b2 = jnp.zeros((D,), dtype=jnp.float32)
    return {"x": x, "edge_index": edge_index, "edge_attr": edge_attr,
            "W1": W1, "b1": b1, "W2": W2, "b2": b2}

def reference(x, edge_index, edge_attr, W1, b1, W2, b2):
    # GINEConv (eps=0.0):
    #   m_ij = ReLU(x_j + edge_attr_ij)
    #   h_i  = (1 + eps) * x_i + sum_{j in N(i)} m_ij
    #   out  = MLP(h)
    src = edge_index[0]
    dst = edge_index[1]
    msg = jax.nn.relu(jnp.take(x, src, axis=0) + edge_attr)
    agg = jax.ops.segment_sum(msg, dst, num_segments=x.shape[0])
    eps = 0.0
    h = (1.0 + eps) * x + agg
    h = h @ W1 + b1
    h = jax.nn.relu(h)
    out = h @ W2 + b2
    return out

if __name__ == "__main__":
    import jax
    _d = setup_inputs()
    print(jax.jit(kernel)(*tuple(_d.values())))

</pallas_src>

<mosaic_0001>
#map = affine_map<(d0, d1) -> (0, 0)>
#map1 = affine_map<(d0, d1) -> (0)>
#map2 = affine_map<(d0, d1) -> (0, 0, 0)>
module attributes {stable_mosaic.version = 14 : i64} {
  func.func @body(%arg0: i32, %arg1: i32, %arg2: memref<10000x128xf32, #tpu.memory_space<hbm>>, %arg3: memref<320000xi32, #tpu.memory_space<hbm>>, %arg4: memref<320000xi32, #tpu.memory_space<hbm>>, %arg5: memref<320000x128xf32, #tpu.memory_space<hbm>>, %arg6: memref<632x128xf32, #tpu.memory_space<hbm>>, %arg7: memref<2x10112x128xf32, #tpu.memory_space<hbm>>, %arg8: memref<40xi32, #tpu.memory_space<vmem>>, %arg9: memref<40xi32, #tpu.memory_space<vmem>>, %arg10: memref<40xi32, #tpu.memory_space<vmem>>, %arg11: memref<40xi32, #tpu.memory_space<vmem>>, %arg12: memref<40xi32, #tpu.memory_space<vmem>>, %arg13: memref<40xi32, #tpu.memory_space<vmem>>, %arg14: memref<40x128xf32, #tpu.memory_space<vmem>>, %arg15: memref<40x128xf32, #tpu.memory_space<vmem>>, %arg16: memref<40x128xf32, #tpu.memory_space<vmem>>, %arg17: memref<40x128xf32, #tpu.memory_space<vmem>>, %arg18: memref<40x128xf32, #tpu.memory_space<vmem>>, %arg19: memref<40x128xf32, #tpu.memory_space<vmem>>, %arg20: memref<10112x128xf32, #tpu.memory_space<vmem_shared>>, %arg21: memref<!tpu.dma_semaphore, #tpu.memory_space<semaphore_mem>>, %arg22: memref<!tpu.dma_semaphore, #tpu.memory_space<semaphore_mem>>, %arg23: memref<!tpu.dma_semaphore, #tpu.memory_space<semaphore_mem>>, %arg24: memref<!tpu.dma_semaphore, #tpu.memory_space<semaphore_mem>>, %arg25: memref<!tpu.dma_semaphore, #tpu.memory_space<semaphore_mem>>, %arg26: memref<!tpu.dma_semaphore, #tpu.memory_space<semaphore_mem>>, %arg27: memref<!tpu.dma_semaphore, #tpu.memory_space<semaphore_mem>>, %arg28: memref<!tpu.dma_semaphore, #tpu.memory_space<semaphore_mem>>, %arg29: memref<!tpu.dma_semaphore, #tpu.memory_space<semaphore_mem>>, %arg30: memref<!tpu.dma_semaphore, #tpu.memory_space<semaphore_mem>>) attributes {dimension_semantics = [#tpu.dimension_semantics<core_parallel>, #tpu.dimension_semantics<subcore_parallel>], iteration_bounds = array<i64: 2, 16>, scalar_prefetch = 0 : i64, scratch_operands = 23 : i64, tpu.core_type = #tpu.core_type<sc_vector_subcore>, window_params = [{transform_indices = #map}, {transform_indices = #map1}, {transform_indices = #map1}, {transform_indices = #map}, {transform_indices = #map}, {transform_indices = #map2}]} {
    %mul3A = arith.constant 2 : i32
    %mul3A_0 = arith.muli %arg1, %mul3A : i32
    %add3A = arith.addi %mul3A_0, %arg0 : i32
    %mul3A_1 = arith.constant 632 : i32
    %mul3A_2 = arith.muli %arg1, %mul3A_1 : i32
    "tpu.region"() ({
      %run_scoped3A = tpu.sem_alloc : memref<!tpu.dma_semaphore, #tpu.memory_space<semaphore_mem>>
      %dma_start3A_59 = arith.constant 0 : i32
      %dma_start3A_60 = tpu.memref_slice %arg20[%mul3A_2, %dma_start3A_59] : memref<10112x128xf32, #tpu.memory_space<vmem_shared>> -> memref<632x128xf32, #tpu.memory_space<vmem_shared>>
      tpu.enqueue_dma source(%arg6 : memref<632x128xf32, #tpu.memory_space<hbm>>) target(%dma_start3A_60 : memref<632x128xf32, #tpu.memory_space<vmem_shared>>) target_semaphore(%run_scoped3A : memref<!tpu.dma_semaphore, #tpu.memory_space<semaphore_mem>>)
      %dma_wait3A_61 = arith.constant 0 : i32
      %dma_wait3A_62 = tpu.memref_slice %arg20[%mul3A_2, %dma_wait3A_61] : memref<10112x128xf32, #tpu.memory_space<vmem_shared>> -> memref<632x128xf32, #tpu.memory_space<vmem_shared>>
      tpu.wait_dma2 semaphore(%run_scoped3A : memref<!tpu.dma_semaphore, #tpu.memory_space<semaphore_mem>>) src(%arg6 : memref<632x128xf32, #tpu.memory_space<hbm>>) dst(%dma_wait3A_62 : memref<632x128xf32, #tpu.memory_space<vmem_shared>>)
      tpu.yield
    }) : () -> ()
    %barrier3A = arith.constant 0 : index
    tpu.barrier barrier_id(%barrier3A)
    %mul3A_3 = arith.constant 250 : i32
    %mul3A_4 = arith.muli %add3A, %mul3A_3 : i32
    %add3A_5 = arith.constant 0 : i32
    %add3A_6 = arith.addi %mul3A_4, %add3A_5 : i32
    %mul3A_7 = arith.constant 40 : i32
    %mul3A_8 = arith.muli %add3A_6, %mul3A_7 : i32
    %dma_start3A = tpu.memref_slice %arg3[%mul3A_8] : memref<320000xi32, #tpu.memory_space<hbm>> -> memref<40xi32, #tpu.memory_space<hbm>>
    %dma_start3A_9 = tpu.memref_slice %arg3[%mul3A_8] : memref<320000xi32, #tpu.memory_space<hbm>> -> memref<40xi32, #tpu.memory_space<hbm>>
    tpu.enqueue_dma source(%dma_start3A_9 : memref<40xi32, #tpu.memory_space<hbm>>) target(%arg8 : memref<40xi32, #tpu.memory_space<vmem>>) target_semaphore(%arg21 : memref<!tpu.dma_semaphore, #tpu.memory_space<semaphore_mem>>)
    %dma_start3A_10 = arith.constant 0 : i32
    %dma_start3A_11 = tpu.memref_slice %arg5[%mul3A_8, %dma_start3A_10] : memref<320000x128xf32, #tpu.memory_space<hbm>> -> memref<40x128xf32, #tpu.memory_space<hbm>>
    %dma_start3A_12 = arith.constant 0 : i32
    %dma_start3A_13 = tpu.memref_slice %arg5[%mul3A_8, %dma_start3A_12] : memref<320000x128xf32, #tpu.memory_space<hbm>> -> memref<40x128xf32, #tpu.memory_space<hbm>>
    tpu.enqueue_dma source(%dma_start3A_13 : memref<40x128xf32, #tpu.memory_space<hbm>>) target(%arg16 : memref<40x128xf32, #tpu.memory_space<vmem>>) target_semaphore(%arg21 : memref<!tpu.dma_semaphore, #tpu.memory_space<semaphore_mem>>)
    %dma_start3A_14 = tpu.memref_slice %arg4[%mul3A_8] : memref<320000xi32, #tpu.memory_space<hbm>> -> memref<40xi32, #tpu.memory_space<hbm>>
    %dma_start3A_15 = tpu.memref_slice %arg4[%mul3A_8] : memref<320000xi32, #tpu.memory_space<hbm>> -> memref<40xi32, #tpu.memory_space<hbm>>
    tpu.enqueue_dma source(%dma_start3A_15 : memref<40xi32, #tpu.memory_space<hbm>>) target(%arg10 : memref<40xi32, #tpu.memory_space<vmem>>) target_semaphore(%arg27 : memref<!tpu.dma_semaphore, #tpu.memory_space<semaphore_mem>>)
    %mul3A_16 = arith.constant 250 : i32
    %mul3A_17 = arith.muli %add3A, %mul3A_16 : i32
    %add3A_18 = arith.constant 1 : i32
    %add3A_19 = arith.addi %mul3A_17, %add3A_18 : i32
    %mul3A_20 = arith.constant 40 : i32
    %mul3A_21 = arith.muli %add3A_19, %mul3A_20 : i32
    %dma_start3A_22 = tpu.memref_slice %arg3[%mul3A_21] : memref<320000xi32, #tpu.memory_space<hbm>> -> memref<40xi32, #tpu.memory_space<hbm>>
    %dma_start3A_23 = tpu.memref_slice %arg3[%mul3A_21] : memref<320000xi32, #tpu.memory_space<hbm>> -> memref<40xi32, #tpu.memory_space<hbm>>
    tpu.enqueue_dma source(%dma_start3A_23 : memref<40xi32, #tpu.memory_space<hbm>>) target(%arg9 : memref<40xi32, #tpu.memory_space<vmem>>) target_semaphore(%arg22 : memref<!tpu.dma_semaphore, #tpu.memory_space<semaphore_mem>>)
    %dma_start3A_24 = arith.constant 0 : i32
    %dma_start3A_25 = tpu.memref_slice %arg5[%mul3A_21, %dma_start3A_24] : memref<320000x128xf32, #tpu.memory_space<hbm>> -> memref<40x128xf32, #tpu.memory_space<hbm>>
    %dma_start3A_26 = arith.constant 0 : i32
    %dma_start3A_27 = tpu.memref_slice %arg5[%mul3A_21, %dma_start3A_26] : memref<320000x128xf32, #tpu.memory_space<hbm>> -> memref<40x128xf32, #tpu.memory_space<hbm>>
    tpu.enqueue_dma source(%dma_start3A_27 : memref<40x128xf32, #tpu.memory_space<hbm>>) target(%arg17 : memref<40x128xf32, #tpu.memory_space<vmem>>) target_semaphore(%arg22 : memref<!tpu.dma_semaphore, #tpu.memory_space<semaphore_mem>>)
    %dma_start3A_28 = tpu.memref_slice %arg4[%mul3A_21] : memref<320000xi32, #tpu.memory_space<hbm>> -> memref<40xi32, #tpu.memory_space<hbm>>
    %dma_start3A_29 = tpu.memref_slice %arg4[%mul3A_21] : memref<320000xi32, #tpu.memory_space<hbm>> -> memref<40xi32, #tpu.memory_space<hbm>>
    tpu.enqueue_dma source(%dma_start3A_29 : memref<40xi32, #tpu.memory_space<hbm>>) target(%arg11 : memref<40xi32, #tpu.memory_space<vmem>>) target_semaphore(%arg28 : memref<!tpu.dma_semaphore, #tpu.memory_space<semaphore_mem>>)
    %mul3A_30 = arith.constant 250 : i32
    %mul3A_31 = arith.muli %add3A, %mul3A_30 : i32
    %add3A_32 = arith.constant 0 : i32
    %add3A_33 = arith.addi %mul3A_31, %add3A_32 : i32
    %mul3A_34 = arith.constant 40 : i32
    %mul3A_35 = arith.muli %add3A_33, %mul3A_34 : i32
    %dma_wait3A = tpu.memref_slice %arg3[%mul3A_35] : memref<320000xi32, #tpu.memory_space<hbm>> -> memref<40xi32, #tpu.memory_space<hbm>>
    %dma_wait3A_36 = tpu.memref_slice %arg3[%mul3A_35] : memref<320000xi32, #tpu.memory_space<hbm>> -> memref<40xi32, #tpu.memory_space<hbm>>
    tpu.wait_dma2 semaphore(%arg21 : memref<!tpu.dma_semaphore, #tpu.memory_space<semaphore_mem>>) src(%dma_wait3A_36 : memref<40xi32, #tpu.memory_space<hbm>>) dst(%arg8 : memref<40xi32, #tpu.memory_space<vmem>>)
    %dma_wait3A_37 = arith.constant 0 : i32
    %dma_wait3A_38 = tpu.memref_slice %arg5[%mul3A_35, %dma_wait3A_37] : memref<320000x128xf32, #tpu.memory_space<hbm>> -> memref<40x128xf32, #tpu.memory_space<hbm>>
    %dma_wait3A_39 = arith.constant 0 : i32
    %dma_wait3A_40 = tpu.memref_slice %arg5[%mul3A_35, %dma_wait3A_39] : memref<320000x128xf32, #tpu.memory_space<hbm>> -> memref<40x128xf32, #tpu.memory_space<hbm>>
    tpu.wait_dma2 semaphore(%arg21 : memref<!tpu.dma_semaphore, #tpu.memory_space<semaphore_mem>>) src(%dma_wait3A_40 : memref<40x128xf32, #tpu.memory_space<hbm>>) dst(%arg16 : memref<40x128xf32, #tpu.memory_space<vmem>>)
    %dma_wait3A_41 = tpu.memref_slice %arg4[%mul3A_35] : memref<320000xi32, #tpu.memory_space<hbm>> -> memref<40xi32, #tpu.memory_space<hbm>>
    %dma_wait3A_42 = tpu.memref_slice %arg4[%mul3A_35] : memref<320000xi32, #tpu.memory_space<hbm>> -> memref<40xi32, #tpu.memory_space<hbm>>
    tpu.wait_dma2 semaphore(%arg27 : memref<!tpu.dma_semaphore, #tpu.memory_space<semaphore_mem>>) src(%dma_wait3A_42 : memref<40xi32, #tpu.memory_space<hbm>>) dst(%arg10 : memref<40xi32, #tpu.memory_space<vmem>>)
    %dma_start3A_43 = arith.constant 0 : i32
    %dma_start3A_44 = arith.constant 0 : i32
    %dma_start3A_45 = tpu.memref_slice %arg2[%dma_start3A_43, %dma_start3A_44] : memref<10000x128xf32, #tpu.memory_space<hbm>> -> memref<10000x128xf32, #tpu.memory_space<hbm>>
    tpu.enqueue_indirect_dma source(%dma_start3A_45 : memref<10000x128xf32, #tpu.memory_space<hbm>>) target(%arg14 : memref<40x128xf32, #tpu.memory_space<vmem>>) offsets(%arg8 : memref<40xi32, #tpu.memory_space<vmem>>) semaphore(%arg23 : memref<!tpu.dma_semaphore, #tpu.memory_space<semaphore_mem>>)
    %scan3A = arith.constant 0 : i32
    %scan3A_46 = arith.constant 0 : i32
    %scan3A_47 = arith.constant 125 : i32
    %scan3A_48 = arith.addi %scan3A_46, %scan3A_47 : i32
    %scan3A_49 = arith.constant 1 : i32
    %scan3A_50 = scf.for %scan3A_59 = %scan3A_46 to %scan3A_48 step %scan3A_49 iter_args(%scan3A_60 = %scan3A) -> (i32)  : i32 {
      %mul3A_61 = arith.constant 2 : i32
      %mul3A_62 = arith.muli %mul3A_61, %scan3A_59 : i32
      %add3A_63 = arith.constant 0 : i32
      %add3A_64 = arith.addi %mul3A_62, %add3A_63 : i32
      %dma_wait3A_65 = arith.constant 0 : i32
      %dma_wait3A_66 = arith.constant 0 : i32
      %dma_wait3A_67 = tpu.memref_slice %arg2[%dma_wait3A_65, %dma_wait3A_66] : memref<10000x128xf32, #tpu.memory_space<hbm>> -> memref<10000x128xf32, #tpu.memory_space<hbm>>
      tpu.wait_indirect_dma semaphore(%arg23 : memref<!tpu.dma_semaphore, #tpu.memory_space<semaphore_mem>>) src(%dma_wait3A_67 : memref<10000x128xf32, #tpu.memory_space<hbm>>) dst(%arg14 : memref<40x128xf32, #tpu.memory_space<vmem>>)
      %jit3A = arith.constant 2 : i32
      %eq3A = arith.constant 0 : i32
      %eq3A_68 = arith.cmpi eq, %jit3A, %eq3A : i32
      %jit3A_69 = arith.constant 1 : i32
      %select_n3A = arith.select %eq3A_68, %jit3A_69, %jit3A : i32
      %rem3A = arith.remsi %scan3A_59, %select_n3A : i32
      %ne3A = arith.constant 0 : i32
      %ne3A_70 = arith.cmpi ne, %rem3A, %ne3A : i32
      %lt3A = arith.constant 0 : i32
      %lt3A_71 = arith.cmpi slt, %rem3A, %lt3A : i32
      %lt3A_72 = arith.constant 0 : i32
      %lt3A_73 = arith.cmpi slt, %select_n3A, %lt3A_72 : i32
      %ne3A_74 = arith.xori %lt3A_71, %lt3A_73 : i1
      %and3A = arith.andi %ne3A_74, %ne3A_70 : i1
      %add3A_75 = arith.addi %rem3A, %select_n3A : i32
      %select_n3A_76 = arith.select %and3A, %add3A_75, %rem3A : i32
      %eq3A_77 = arith.constant 0 : i32
      %eq3A_78 = arith.cmpi eq, %select_n3A_76, %eq3A_77 : i32
      %add3A_79 = arith.constant 1 : i32
      %add3A_80 = arith.addi %add3A_64, %add3A_79 : i32
      %lt3A_81 = arith.constant 250 : i32
      %lt3A_82 = arith.cmpi slt, %add3A_80, %lt3A_81 : i32
      %and3A_83 = arith.andi %lt3A_82, %eq3A_78 : i1
      %convert_element_type3A = arith.extui %and3A_83 : i1 to i32
      %cond3A = arith.constant 0 : i32
      %cond3A_84 = arith.cmpi ne, %convert_element_type3A, %cond3A : i32
      scf.if %cond3A_84 {
        %add3A_315 = arith.constant 1 : i32
        %add3A_316 = arith.addi %add3A_64, %add3A_315 : i32
        %mul3A_317 = arith.constant 250 : i32
        %mul3A_318 = arith.muli %add3A, %mul3A_317 : i32
        %add3A_319 = arith.addi %mul3A_318, %add3A_316 : i32
        %mul3A_320 = arith.constant 40 : i32
        %mul3A_321 = arith.muli %add3A_319, %mul3A_320 : i32
        %dma_wait3A_322 = tpu.memref_slice %arg3[%mul3A_321] : memref<320000xi32, #tpu.memory_space<hbm>> -> memref<40xi32, #tpu.memory_space<hbm>>
        %dma_wait3A_323 = tpu.memref_slice %arg3[%mul3A_321] : memref<320000xi32, #tpu.memory_space<hbm>> -> memref<40xi32, #tpu.memory_space<hbm>>
        tpu.wait_dma2 semaphore(%arg22 : memref<!tpu.dma_semaphore, #tpu.memory_space<semaphore_mem>>) src(%dma_wait3A_323 : memref<40xi32, #tpu.memory_space<hbm>>) dst(%arg9 : memref<40xi32, #tpu.memory_space<vmem>>)
        %dma_wait3A_324 = arith.constant 0 : i32
        %dma_wait3A_325 = tpu.memref_slice %arg5[%mul3A_321, %dma_wait3A_324] : memref<320000x128xf32, #tpu.memory_space<hbm>> -> memref<40x128xf32, #tpu.memory_space<hbm>>
        %dma_wait3A_326 = arith.constant 0 : i32
        %dma_wait3A_327 = tpu.memref_slice %arg5[%mul3A_321, %dma_wait3A_326] : memref<320000x128xf32, #tpu.memory_space<hbm>> -> memref<40x128xf32, #tpu.memory_space<hbm>>
        tpu.wait_dma2 semaphore(%arg22 : memref<!tpu.dma_semaphore, #tpu.memory_space<semaphore_mem>>) src(%dma_wait3A_327 : memref<40x128xf32, #tpu.memory_space<hbm>>) dst(%arg17 : memref<40x128xf32, #tpu.memory_space<vmem>>)
        %dma_wait3A_328 = tpu.memref_slice %arg4[%mul3A_321] : memref<320000xi32, #tpu.memory_space<hbm>> -> memref<40xi32, #tpu.memory_space<hbm>>
        %dma_wait3A_329 = tpu.memref_slice %arg4[%mul3A_321] : memref<320000xi32, #tpu.memory_space<hbm>> -> memref<40xi32, #tpu.memory_space<hbm>>
        tpu.wait_dma2 semaphore(%arg28 : memref<!tpu.dma_semaphore, #tpu.memory_space<semaphore_mem>>) src(%dma_wait3A_329 : memref<40xi32, #tpu.memory_space<hbm>>) dst(%arg11 : memref<40xi32, #tpu.memory_space<vmem>>)
        %dma_start3A_330 = arith.constant 0 : i32
        %dma_start3A_331 = arith.constant 0 : i32
        %dma_start3A_332 = tpu.memref_slice %arg2[%dma_start3A_330, %dma_start3A_331] : memref<10000x128xf32, #tpu.memory_space<hbm>> -> memref<10000x128xf32, #tpu.memory_space<hbm>>
        tpu.enqueue_indirect_dma source(%dma_start3A_332 : memref<10000x128xf32, #tpu.memory_space<hbm>>) target(%arg15 : memref<40x128xf32, #tpu.memory_space<vmem>>) offsets(%arg9 : memref<40xi32, #tpu.memory_space<vmem>>) semaphore(%arg24 : memref<!tpu.dma_semaphore, #tpu.memory_space<semaphore_mem>>)
      } else {
      }
      %ge3A = arith.constant 2 : i32
      %ge3A_85 = arith.cmpi sge, %add3A_64, %ge3A : i32
      %and3A_86 = arith.andi %ge3A_85, %eq3A_78 : i1
      %convert_element_type3A_87 = arith.extui %and3A_86 : i1 to i32
      %cond3A_88 = arith.constant 0 : i32
      %cond3A_89 = arith.cmpi ne, %convert_element_type3A_87, %cond3A_88 : i32
      scf.if %cond3A_89 {
        %dma_wait3A_315 = arith.constant 0 : i32
        %dma_wait3A_316 = arith.constant 0 : i32
        %dma_wait3A_317 = tpu.memref_slice %arg20[%dma_wait3A_315, %dma_wait3A_316] : memref<10112x128xf32, #tpu.memory_space<vmem_shared>> -> memref<10112x128xf32, #tpu.memory_space<vmem_shared>>
        tpu.wait_indirect_dma semaphore(%arg25 : memref<!tpu.dma_semaphore, #tpu.memory_space<semaphore_mem>>) src(%arg18 : memref<40x128xf32, #tpu.memory_space<vmem>>) dst(%dma_wait3A_317 : memref<10112x128xf32, #tpu.memory_space<vmem_shared>>)
      } else {
      }
      %jit3A_90 = arith.constant 2 : i32
      %eq3A_91 = arith.constant 0 : i32
      %eq3A_92 = arith.cmpi eq, %jit3A_90, %eq3A_91 : i32
      %jit3A_93 = arith.constant 1 : i32
      %select_n3A_94 = arith.select %eq3A_92, %jit3A_93, %jit3A_90 : i32
      %rem3A_95 = arith.remsi %scan3A_59, %select_n3A_94 : i32
      %ne3A_96 = arith.constant 0 : i32
      %ne3A_97 = arith.cmpi ne, %rem3A_95, %ne3A_96 : i32
      %lt3A_98 = arith.constant 0 : i32
      %lt3A_99 = arith.cmpi slt, %rem3A_95, %lt3A_98 : i32
      %lt3A_100 = arith.constant 0 : i32
      %lt3A_101 = arith.cmpi slt, %select_n3A_94, %lt3A_100 : i32
      %ne3A_102 = arith.xori %lt3A_99, %lt3A_101 : i1
      %and3A_103 = arith.andi %ne3A_102, %ne3A_97 : i1
      %add3A_104 = arith.addi %rem3A_95, %select_n3A_94 : i32
      %select_n3A_105 = arith.select %and3A_103, %add3A_104, %rem3A_95 : i32
      %eq3A_106 = arith.constant 1 : i32
      %eq3A_107 = arith.cmpi eq, %select_n3A_105, %eq3A_106 : i32
      %add3A_108 = arith.constant 1 : i32
      %add3A_109 = arith.addi %add3A_64, %add3A_108 : i32
      %lt3A_110 = arith.constant 250 : i32
      %lt3A_111 = arith.cmpi slt, %add3A_109, %lt3A_110 : i32
      %and3A_112 = arith.andi %lt3A_111, %eq3A_107 : i1
      %convert_element_type3A_113 = arith.extui %and3A_112 : i1 to i32
      %cond3A_114 = arith.constant 0 : i32
      %cond3A_115 = arith.cmpi ne, %convert_element_type3A_113, %cond3A_114 : i32
      scf.if %cond3A_115 {
        %add3A_315 = arith.constant 1 : i32
        %add3A_316 = arith.addi %add3A_64, %add3A_315 : i32
        %mul3A_317 = arith.constant 250 : i32
        %mul3A_318 = arith.muli %add3A, %mul3A_317 : i32
        %add3A_319 = arith.addi %mul3A_318, %add3A_316 : i32
        %mul3A_320 = arith.constant 40 : i32
        %mul3A_321 = arith.muli %add3A_319, %mul3A_320 : i32
        %dma_wait3A_322 = tpu.memref_slice %arg3[%mul3A_321] : memref<320000xi32, #tpu.memory_space<hbm>> -> memref<40xi32, #tpu.memory_space<hbm>>
        %dma_wait3A_323 = tpu.memref_slice %arg3[%mul3A_321] : memref<320000xi32, #tpu.memory_space<hbm>> -> memref<40xi32, #tpu.memory_space<hbm>>
        tpu.wait_dma2 semaphore(%arg22 : memref<!tpu.dma_semaphore, #tpu.memory_space<semaphore_mem>>) src(%dma_wait3A_323 : memref<40xi32, #tpu.memory_space<hbm>>) dst(%arg9 : memref<40xi32, #tpu.memory_space<vmem>>)
        %dma_wait3A_324 = arith.constant 0 : i32
        %dma_wait3A_325 = tpu.memref_slice %arg5[%mul3A_321, %dma_wait3A_324] : memref<320000x128xf32, #tpu.memory_space<hbm>> -> memref<40x128xf32, #tpu.memory_space<hbm>>
        %dma_wait3A_326 = arith.constant 0 : i32
        %dma_wait3A_327 = tpu.memref_slice %arg5[%mul3A_321, %dma_wait3A_326] : memref<320000x128xf32, #tpu.memory_space<hbm>> -> memref<40x128xf32, #tpu.memory_space<hbm>>
        tpu.wait_dma2 semaphore(%arg22 : memref<!tpu.dma_semaphore, #tpu.memory_space<semaphore_mem>>) src(%dma_wait3A_327 : memref<40x128xf32, #tpu.memory_space<hbm>>) dst(%arg17 : memref<40x128xf32, #tpu.memory_space<vmem>>)
        %dma_wait3A_328 = tpu.memref_slice %arg4[%mul3A_321] : memref<320000xi32, #tpu.memory_space<hbm>> -> memref<40xi32, #tpu.memory_space<hbm>>
        %dma_wait3A_329 = tpu.memref_slice %arg4[%mul3A_321] : memref<320000xi32, #tpu.memory_space<hbm>> -> memref<40xi32, #tpu.memory_space<hbm>>
        tpu.wait_dma2 semaphore(%arg30 : memref<!tpu.dma_semaphore, #tpu.memory_space<semaphore_mem>>) src(%dma_wait3A_329 : memref<40xi32, #tpu.memory_space<hbm>>) dst(%arg13 : memref<40xi32, #tpu.memory_space<vmem>>)
        %dma_start3A_330 = arith.constant 0 : i32
        %dma_start3A_331 = arith.constant 0 : i32
        %dma_start3A_332 = tpu.memref_slice %arg2[%dma_start3A_330, %dma_start3A_331] : memref<10000x128xf32, #tpu.memory_space<hbm>> -> memref<10000x128xf32, #tpu.memory_space<hbm>>
        tpu.enqueue_indirect_dma source(%dma_start3A_332 : memref<10000x128xf32, #tpu.memory_space<hbm>>) target(%arg15 : memref<40x128xf32, #tpu.memory_space<vmem>>) offsets(%arg9 : memref<40xi32, #tpu.memory_space<vmem>>) semaphore(%arg24 : memref<!tpu.dma_semaphore, #tpu.memory_space<semaphore_mem>>)
      } else {
      }
      %ge3A_116 = arith.constant 2 : i32
      %ge3A_117 = arith.cmpi sge, %add3A_64, %ge3A_116 : i32
      %and3A_118 = arith.andi %ge3A_117, %eq3A_107 : i1
      %convert_element_type3A_119 = arith.extui %and3A_118 : i1 to i32
      %cond3A_120 = arith.constant 0 : i32
      %cond3A_121 = arith.cmpi ne, %convert_element_type3A_119, %cond3A_120 : i32
      scf.if %cond3A_121 {
        %dma_wait3A_315 = arith.constant 0 : i32
        %dma_wait3A_316 = arith.constant 0 : i32
        %dma_wait3A_317 = tpu.memref_slice %arg20[%dma_wait3A_315, %dma_wait3A_316] : memref<10112x128xf32, #tpu.memory_space<vmem_shared>> -> memref<10112x128xf32, #tpu.memory_space<vmem_shared>>
        tpu.wait_indirect_dma semaphore(%arg25 : memref<!tpu.dma_semaphore, #tpu.memory_space<semaphore_mem>>) src(%arg18 : memref<40x128xf32, #tpu.memory_space<vmem>>) dst(%dma_wait3A_317 : memref<10112x128xf32, #tpu.memory_space<vmem_shared>>)
      } else {
      }
      %parallel_loop3A = arith.constant 0 : i32
      %parallel_loop3A_122 = arith.constant 40 : i32
      %parallel_loop3A_123 = arith.constant 1 : i32
      scf.for %parallel_loop3A_315 = %parallel_loop3A to %parallel_loop3A_122 step %parallel_loop3A_123  : i32 {
        %parallel_loop3A_316 = arith.index_cast %parallel_loop3A_315 : i32 to index
        %parallel_loop3A_317 = arith.constant 0 : index
        %parallel_loop3A_318 = tpu.vector_load %arg14[%parallel_loop3A_316, %parallel_loop3A_317] {strides = array<i32>} : memref<40x128xf32, #tpu.memory_space<vmem>>, vector<1x16xf32>,
        %parallel_loop3A_319 = vector.shape_cast %parallel_loop3A_318 : vector<1x16xf32> to vector<16xf32>
        %parallel_loop3A_320 = arith.index_cast %parallel_loop3A_315 : i32 to index
        %parallel_loop3A_321 = arith.constant 0 : index
        %parallel_loop3A_322 = tpu.vector_load %arg16[%parallel_loop3A_320, %parallel_loop3A_321] {strides = array<i32>} : memref<40x128xf32, #tpu.memory_space<vmem>>, vector<1x16xf32>,
        %parallel_loop3A_323 = vector.shape_cast %parallel_loop3A_322 : vector<1x16xf32> to vector<16xf32>
        %parallel_loop3A_324 = arith.addf %parallel_loop3A_319, %parallel_loop3A_323 : vector<16xf32>
        %parallel_loop3A_325 = arith.constant 0.000000e+00 : f32
        %parallel_loop3A_326 = vector.broadcast %parallel_loop3A_325 : f32 to vector<16xf32>
        %parallel_loop3A_327 = arith.maximumf %parallel_loop3A_324, %parallel_loop3A_326 : vector<16xf32>
        %parallel_loop3A_328 = arith.index_cast %parallel_loop3A_315 : i32 to index
        %parallel_loop3A_329 = arith.constant 0 : index
        %parallel_loop3A_330 = tpu.vector_load %arg18[%parallel_loop3A_328, %parallel_loop3A_329] {strides = array<i32>} : memref<40x128xf32, #tpu.memory_space<vmem>>, vector<1x16xf32>,
        %parallel_loop3A_331 = vector.shape_cast %parallel_loop3A_330 : vector<1x16xf32> to vector<16xf32>
        %parallel_loop3A_332 = vector.shape_cast %parallel_loop3A_327 : vector<16xf32> to vector<1x16xf32>
        tpu.vector_store %arg18[%parallel_loop3A_328, %parallel_loop3A_329], %parallel_loop3A_332 {strides = array<i32>} : memref<40x128xf32, #tpu.memory_space<vmem>>, vector<1x16xf32>,
        %parallel_loop3A_333 = arith.index_cast %parallel_loop3A_315 : i32 to index
        %parallel_loop3A_334 = arith.constant 16 : index
        %parallel_loop3A_335 = tpu.vector_load %arg14[%parallel_loop3A_333, %parallel_loop3A_334] {strides = array<i32>} : memref<40x128xf32, #tpu.memory_space<vmem>>, vector<1x16xf32>,
        %parallel_loop3A_336 = vector.shape_cast %parallel_loop3A_335 : vector<1x16xf32> to vector<16xf32>
        %parallel_loop3A_337 = arith.index_cast %parallel_loop3A_315 : i32 to index
        %parallel_loop3A_338 = arith.constant 16 : index
        %parallel_loop3A_339 = tpu.vector_load %arg16[%parallel_loop3A_337, %parallel_loop3A_338] {strides = array<i32>} : memref<40x128xf32, #tpu.memory_space<vmem>>, vector<1x16xf32>,
        %parallel_loop3A_340 = vector.shape_cast %parallel_loop3A_339 : vector<1x16xf32> to vector<16xf32>
        %parallel_loop3A_341 = arith.addf %parallel_loop3A_336, %parallel_loop3A_340 : vector<16xf32>
        %parallel_loop3A_342 = arith.constant 0.000000e+00 : f32
        %parallel_loop3A_343 = vector.broadcast %parallel_loop3A_342 : f32 to vector<16xf32>
        %parallel_loop3A_344 = arith.maximumf %parallel_loop3A_341, %parallel_loop3A_343 : vector<16xf32>
        %parallel_loop3A_345 = arith.index_cast %parallel_loop3A_315 : i32 to index
        %parallel_loop3A_346 = arith.constant 16 : index
        %parallel_loop3A_347 = tpu.vector_load %arg18[%parallel_loop3A_345, %parallel_loop3A_346] {strides = array<i32>} : memref<40x128xf32, #tpu.memory_space<vmem>>, vector<1x16xf32>,
        %parallel_loop3A_348 = vector.shape_cast %parallel_loop3A_347 : vector<1x16xf32> to vector<16xf32>
        %parallel_loop3A_349 = vector.shape_cast %parallel_loop3A_344 : vector<16xf32> to vector<1x16xf32>
        tpu.vector_store %arg18[%parallel_loop3A_345, %parallel_loop3A_346], %parallel_loop3A_349 {strides = array<i32>} : memref<40x128xf32, #tpu.memory_space<vmem>>, vector<1x16xf32>,
        %parallel_loop3A_350 = arith.index_cast %parallel_loop3A_315 : i32 to index
        %parallel_loop3A_351 = arith.constant 32 : index
        %parallel_loop3A_352 = tpu.vector_load %arg14[%parallel_loop3A_350, %parallel_loop3A_351] {strides = array<i32>} : memref<40x128xf32, #tpu.memory_space<vmem>>, vector<1x16xf32>,
        %parallel_loop3A_353 = vector.shape_cast %parallel_loop3A_352 : vector<1x16xf32> to vector<16xf32>
        %parallel_loop3A_354 = arith.index_cast %parallel_loop3A_315 : i32 to index
        %parallel_loop3A_355 = arith.constant 32 : index
        %parallel_loop3A_356 = tpu.vector_load %arg16[%parallel_loop3A_354, %parallel_loop3A_355] {strides = array<i32>} : memref<40x128xf32, #tpu.memory_space<vmem>>, vector<1x16xf32>,
        %parallel_loop3A_357 = vector.shape_cast %parallel_loop3A_356 : vector<1x16xf32> to vector<16xf32>
        %parallel_loop3A_358 = arith.addf %parallel_loop3A_353, %parallel_loop3A_357 : vector<16xf32>
        %parallel_loop3A_359 = arith.constant 0.000000e+00 : f32
        %parallel_loop3A_360 = vector.broadcast %parallel_loop3A_359 : f32 to vector<16xf32>
        %parallel_loop3A_361 = arith.maximumf %parallel_loop3A_358, %parallel_loop3A_360 : vector<16xf32>
        %parallel_loop3A_362 = arith.index_cast %parallel_loop3A_315 : i32 to index
        %parallel_loop3A_363 = arith.constant 32 : index
        %parallel_loop3A_364 = tpu.vector_load %arg18[%parallel_loop3A_362, %parallel_loop3A_363] {strides = array<i32>} : memref<40x128xf32, #tpu.memory_space<vmem>>, vector<1x16xf32>,
        %parallel_loop3A_365 = vector.shape_cast %parallel_loop3A_364 : vector<1x16xf32> to vector<16xf32>
        %parallel_loop3A_366 = vector.shape_cast %parallel_loop3A_361 : vector<16xf32> to vector<1x16xf32>
        tpu.vector_store %arg18[%parallel_loop3A_362, %parallel_loop3A_363], %parallel_loop3A_366 {strides = array<i32>} : memref<40x128xf32, #tpu.memory_space<vmem>>, vector<1x16xf32>,
        %parallel_loop3A_367 = arith.index_cast %parallel_loop3A_315 : i32 to index
        %parallel_loop3A_368 = arith.constant 48 : index
        %parallel_loop3A_369 = tpu.vector_load %arg14[%parallel_loop3A_367, %parallel_loop3A_368] {strides = array<i32>} : memref<40x128xf32, #tpu.memory_space<vmem>>, vector<1x16xf32>,
        %parallel_loop3A_370 = vector.shape_cast %parallel_loop3A_369 : vector<1x16xf32> to vector<16xf32>
        %parallel_loop3A_371 = arith.index_cast %parallel_loop3A_315 : i32 to index
        %parallel_loop3A_372 = arith.constant 48 : index
        %parallel_loop3A_373 = tpu.vector_load %arg16[%parallel_loop3A_371, %parallel_loop3A_372] {strides = array<i32>} : memref<40x128xf32, #tpu.memory_space<vmem>>, vector<1x16xf32>,
        %parallel_loop3A_374 = vector.shape_cast %parallel_loop3A_373 : vector<1x16xf32> to vector<16xf32>
        %parallel_loop3A_375 = arith.addf %parallel_loop3A_370, %parallel_loop3A_374 : vector<16xf32>
        %parallel_loop3A_376 = arith.constant 0.000000e+00 : f32
        %parallel_loop3A_377 = vector.broadcast %parallel_loop3A_376 : f32 to vector<16xf32>
        %parallel_loop3A_378 = arith.maximumf %parallel_loop3A_375, %parallel_loop3A_377 : vector<16xf32>
        %parallel_loop3A_379 = arith.index_cast %parallel_loop3A_315 : i32 to index
        %parallel_loop3A_380 = arith.constant 48 : index
        %parallel_loop3A_381 = tpu.vector_load %arg18[%parallel_loop3A_379, %parallel_loop3A_380] {strides = array<i32>} : memref<40x128xf32, #tpu.memory_space<vmem>>, vector<1x16xf32>,
        %parallel_loop3A_382 = vector.shape_cast %parallel_loop3A_381 : vector<1x16xf32> to vector<16xf32>
        %parallel_loop3A_383 = vector.shape_cast %parallel_loop3A_378 : vector<16xf32> to vector<1x16xf32>
        tpu.vector_store %arg18[%parallel_loop3A_379, %parallel_loop3A_380], %parallel_loop3A_383 {strides = array<i32>} : memref<40x128xf32, #tpu.memory_space<vmem>>, vector<1x16xf32>,
        %parallel_loop3A_384 = arith.index_cast %parallel_loop3A_315 : i32 to index
        %parallel_loop3A_385 = arith.constant 64 : index
        %parallel_loop3A_386 = tpu.vector_load %arg14[%parallel_loop3A_384, %parallel_loop3A_385] {strides = array<i32>} : memref<40x128xf32, #tpu.memory_space<vmem>>, vector<1x16xf32>,
        %parallel_loop3A_387 = vector.shape_cast %parallel_loop3A_386 : vector<1x16xf32> to vector<16xf32>
        %parallel_loop3A_388 = arith.index_cast %parallel_loop3A_315 : i32 to index
        %parallel_loop3A_389 = arith.constant 64 : index
        %parallel_loop3A_390 = tpu.vector_load %arg16[%parallel_loop3A_388, %parallel_loop3A_389] {strides = array<i32>} : memref<40x128xf32, #tpu.memory_space<vmem>>, vector<1x16xf32>,
        %parallel_loop3A_391 = vector.shape_cast %parallel_loop3A_390 : vector<1x16xf32> to vector<16xf32>
        %parallel_loop3A_392 = arith.addf %parallel_loop3A_387, %parallel_loop3A_391 : vector<16xf32>
        %parallel_loop3A_393 = arith.constant 0.000000e+00 : f32
        %parallel_loop3A_394 = vector.broadcast %parallel_loop3A_393 : f32 to vector<16xf32>
        %parallel_loop3A_395 = arith.maximumf %parallel_loop3A_392, %parallel_loop3A_394 : vector<16xf32>
        %parallel_loop3A_396 = arith.index_cast %parallel_loop3A_315 : i32 to index
        %parallel_loop3A_397 = arith.constant 64 : index
        %parallel_loop3A_398 = tpu.vector_load %arg18[%parallel_loop3A_396, %parallel_loop3A_397] {strides = array<i32>} : memref<40x128xf32, #tpu.memory_space<vmem>>, vector<1x16xf32>,
        %parallel_loop3A_399 = vector.shape_cast %parallel_loop3A_398 : vector<1x16xf32> to vector<16xf32>
        %parallel_loop3A_400 = vector.shape_cast %parallel_loop3A_395 : vector<16xf32> to vector<1x16xf32>
        tpu.vector_store %arg18[%parallel_loop3A_396, %parallel_loop3A_397], %parallel_loop3A_400 {strides = array<i32>} : memref<40x128xf32, #tpu.memory_space<vmem>>, vector<1x16xf32>,
        %parallel_loop3A_401 = arith.index_cast %parallel_loop3A_315 : i32 to index
        %parallel_loop3A_402 = arith.constant 80 : index
        %parallel_loop3A_403 = tpu.vector_load %arg14[%parallel_loop3A_401, %parallel_loop3A_402] {strides = array<i32>} : memref<40x128xf32, #tpu.memory_space<vmem>>, vector<1x16xf32>,
        %parallel_loop3A_404 = vector.shape_cast %parallel_loop3A_403 : vector<1x16xf32> to vector<16xf32>
        %parallel_loop3A_405 = arith.index_cast %parallel_loop3A_315 : i32 to index
        %parallel_loop3A_406 = arith.constant 80 : index
        %parallel_loop3A_407 = tpu.vector_load %arg16[%parallel_loop3A_405, %parallel_loop3A_406] {strides = array<i32>} : memref<40x128xf32, #tpu.memory_space<vmem>>, vector<1x16xf32>,
        %parallel_loop3A_408 = vector.shape_cast %parallel_loop3A_407 : vector<1x16xf32> to vector<16xf32>
        %parallel_loop3A_409 = arith.addf %parallel_loop3A_404, %parallel_loop3A_408 : vector<16xf32>
        %parallel_loop3A_410 = arith.constant 0.000000e+00 : f32
        %parallel_loop3A_411 = vector.broadcast %parallel_loop3A_410 : f32 to vector<16xf32>
        %parallel_loop3A_412 = arith.maximumf %parallel_loop3A_409, %parallel_loop3A_411 : vector<16xf32>
        %parallel_loop3A_413 = arith.index_cast %parallel_loop3A_315 : i32 to index
        %parallel_loop3A_414 = arith.constant 80 : index
        %parallel_loop3A_415 = tpu.vector_load %arg18[%parallel_loop3A_413, %parallel_loop3A_414] {strides = array<i32>} : memref<40x128xf32, #tpu.memory_space<vmem>>, vector<1x16xf32>,
        %parallel_loop3A_416 = vector.shape_cast %parallel_loop3A_415 : vector<1x16xf32> to vector<16xf32>
        %parallel_loop3A_417 = vector.shape_cast %parallel_loop3A_412 : vector<16xf32> to vector<1x16xf32>
        tpu.vector_store %arg18[%parallel_loop3A_413, %parallel_loop3A_414], %parallel_loop3A_417 {strides = array<i32>} : memref<40x128xf32, #tpu.memory_space<vmem>>, vector<1x16xf32>,
        %parallel_loop3A_418 = arith.index_cast %parallel_loop3A_315 : i32 to index
        %parallel_loop3A_419 = arith.constant 96 : index
        %parallel_loop3A_420 = tpu.vector_load %arg14[%parallel_loop3A_418, %parallel_loop3A_419] {strides = array<i32>} : memref<40x128xf32, #tpu.memory_space<vmem>>, vector<1x16xf32>,
        %parallel_loop3A_421 = vector.shape_cast %parallel_loop3A_420 : vector<1x16xf32> to vector<16xf32>
        %parallel_loop3A_422 = arith.index_cast %parallel_loop3A_315 : i32 to index
        %parallel_loop3A_423 = arith.constant 96 : index
        %parallel_loop3A_424 = tpu.vector_load %arg16[%parallel_loop3A_422, %parallel_loop3A_423] {strides = array<i32>} : memref<40x128xf32, #tpu.memory_space<vmem>>, vector<1x16xf32>,
        %parallel_loop3A_425 = vector.shape_cast %parallel_loop3A_424 : vector<1x16xf32> to vector<16xf32>
        %parallel_loop3A_426 = arith.addf %parallel_loop3A_421, %parallel_loop3A_425 : vector<16xf32>
        %parallel_loop3A_427 = arith.constant 0.000000e+00 : f32
        %parallel_loop3A_428 = vector.broadcast %parallel_loop3A_427 : f32 to vector<16xf32>
        %parallel_loop3A_429 = arith.maximumf %parallel_loop3A_426, %parallel_loop3A_428 : vector<16xf32>
        %parallel_loop3A_430 = arith.index_cast %parallel_loop3A_315 : i32 to index
        %parallel_loop3A_431 = arith.constant 96 : index
        %parallel_loop3A_432 = tpu.vector_load %arg18[%parallel_loop3A_430, %parallel_loop3A_431] {strides = array<i32>} : memref<40x128xf32, #tpu.memory_space<vmem>>, vector<1x16xf32>,
        %parallel_loop3A_433 = vector.shape_cast %parallel_loop3A_432 : vector<1x16xf32> to vector<16xf32>
        %parallel_loop3A_434 = vector.shape_cast %parallel_loop3A_429 : vector<16xf32> to vector<1x16xf32>
        tpu.vector_store %arg18[%parallel_loop3A_430, %parallel_loop3A_431], %parallel_loop3A_434 {strides = array<i32>} : memref<40x128xf32, #tpu.memory_space<vmem>>, vector<1x16xf32>,
        %parallel_loop3A_435 = arith.index_cast %parallel_loop3A_315 : i32 to index
        %parallel_loop3A_436 = arith.constant 112 : index
        %parallel_loop3A_437 = tpu.vector_load %arg14[%parallel_loop3A_435, %parallel_loop3A_436] {strides = array<i32>} : memref<40x128xf32, #tpu.memory_space<vmem>>, vector<1x16xf32>,
        %parallel_loop3A_438 = vector.shape_cast %parallel_loop3A_437 : vector<1x16xf32> to vector<16xf32>
        %parallel_loop3A_439 = arith.index_cast %parallel_loop3A_315 : i32 to index
        %parallel_loop3A_440 = arith.constant 112 : index
        %parallel_loop3A_441 = tpu.vector_load %arg16[%parallel_loop3A_439, %parallel_loop3A_440] {strides = array<i32>} : memref<40x128xf32, #tpu.memory_space<vmem>>, vector<1x16xf32>,
        %parallel_loop3A_442 = vector.shape_cast %parallel_loop3A_441 : vector<1x16xf32> to vector<16xf32>
        %parallel_loop3A_443 = arith.addf %parallel_loop3A_438, %parallel_loop3A_442 : vector<16xf32>
        %parallel_loop3A_444 = arith.constant 0.000000e+00 : f32
        %parallel_loop3A_445 = vector.broadcast %parallel_loop3A_444 : f32 to vector<16xf32>
        %parallel_loop3A_446 = arith.maximumf %parallel_loop3A_443, %parallel_loop3A_445 : vector<16xf32>
        %parallel_loop3A_447 = arith.index_cast %parallel_loop3A_315 : i32 to index
        %parallel_loop3A_448 = arith.constant 112 : index
        %parallel_loop3A_449 = tpu.vector_load %arg18[%parallel_loop3A_447, %parallel_loop3A_448] {strides = array<i32>} : memref<40x128xf32, #tpu.memory_space<vmem>>, vector<1x16xf32>,
        %parallel_loop3A_450 = vector.shape_cast %parallel_loop3A_449 : vector<1x16xf32> to vector<16xf32>
        %parallel_loop3A_451 = vector.shape_cast %parallel_loop3A_446 : vector<16xf32> to vector<1x16xf32>
        tpu.vector_store %arg18[%parallel_loop3A_447, %parallel_loop3A_448], %parallel_loop3A_451 {strides = array<i32>} : memref<40x128xf32, #tpu.memory_space<vmem>>, vector<1x16xf32>,
      } {sc.loop_unroll_factor = 4 : i64, sc.parallel_access}
      %jit3A_124 = arith.constant 2 : i32
      %eq3A_125 = arith.constant 0 : i32
      %eq3A_126 = arith.cmpi eq, %jit3A_124, %eq3A_125 : i32
      %jit3A_127 = arith.constant 1 : i32
      %select_n3A_128 = arith.select %eq3A_126, %jit3A_127, %jit3A_124 : i32
      %rem3A_129 = arith.remsi %scan3A_59, %select_n3A_128 : i32
      %ne3A_130 = arith.constant 0 : i32
      %ne3A_131 = arith.cmpi ne, %rem3A_129, %ne3A_130 : i32
      %lt3A_132 = arith.constant 0 : i32
      %lt3A_133 = arith.cmpi slt, %rem3A_129, %lt3A_132 : i32
      %lt3A_134 = arith.constant 0 : i32
      %lt3A_135 = arith.cmpi slt, %select_n3A_128, %lt3A_134 : i32
      %ne3A_136 = arith.xori %lt3A_133, %lt3A_135 : i1
      %and3A_137 = arith.andi %ne3A_136, %ne3A_131 : i1
      %add3A_138 = arith.addi %rem3A_129, %select_n3A_128 : i32
      %select_n3A_139 = arith.select %and3A_137, %add3A_138, %rem3A_129 : i32
      %eq3A_140 = arith.constant 0 : i32
      %eq3A_141 = arith.cmpi eq, %select_n3A_139, %eq3A_140 : i32
      %convert_element_type3A_142 = arith.extui %eq3A_141 : i1 to i32
      %cond3A_143 = arith.constant 0 : i32
      %cond3A_144 = arith.cmpi ne, %convert_element_type3A_142, %cond3A_143 : i32
      scf.if %cond3A_144 {
        %dma_start3A_315 = arith.constant 0 : i32
        %dma_start3A_316 = arith.constant 0 : i32
        %dma_start3A_317 = tpu.memref_slice %arg20[%dma_start3A_315, %dma_start3A_316] : memref<10112x128xf32, #tpu.memory_space<vmem_shared>> -> memref<10112x128xf32, #tpu.memory_space<vmem_shared>>
        tpu.enqueue_indirect_dma source(%arg18 : memref<40x128xf32, #tpu.memory_space<vmem>>) target(%dma_start3A_317 : memref<10112x128xf32, #tpu.memory_space<vmem_shared>>) offsets(%arg10 : memref<40xi32, #tpu.memory_space<vmem>>) semaphore(%arg25 : memref<!tpu.dma_semaphore, #tpu.memory_space<semaphore_mem>>) {add = true}
      } else {
      }
      %add3A_145 = arith.constant 2 : i32
      %add3A_146 = arith.addi %add3A_64, %add3A_145 : i32
      %lt3A_147 = arith.constant 250 : i32
      %lt3A_148 = arith.cmpi slt, %add3A_146, %lt3A_147 : i32
      %and3A_149 = arith.andi %lt3A_148, %eq3A_141 : i1
      %convert_element_type3A_150 = arith.extui %and3A_149 : i1 to i32
      %cond3A_151 = arith.constant 0 : i32
      %cond3A_152 = arith.cmpi ne, %convert_element_type3A_150, %cond3A_151 : i32
      scf.if %cond3A_152 {
        %add3A_315 = arith.constant 2 : i32
        %add3A_316 = arith.addi %add3A_64, %add3A_315 : i32
        %mul3A_317 = arith.constant 250 : i32
        %mul3A_318 = arith.muli %add3A, %mul3A_317 : i32
        %add3A_319 = arith.addi %mul3A_318, %add3A_316 : i32
        %mul3A_320 = arith.constant 40 : i32
        %mul3A_321 = arith.muli %add3A_319, %mul3A_320 : i32
        %dma_start3A_322 = tpu.memref_slice %arg3[%mul3A_321] : memref<320000xi32, #tpu.memory_space<hbm>> -> memref<40xi32, #tpu.memory_space<hbm>>
        %dma_start3A_323 = tpu.memref_slice %arg3[%mul3A_321] : memref<320000xi32, #tpu.memory_space<hbm>> -> memref<40xi32, #tpu.memory_space<hbm>>
        tpu.enqueue_dma source(%dma_start3A_323 : memref<40xi32, #tpu.memory_space<hbm>>) target(%arg8 : memref<40xi32, #tpu.memory_space<vmem>>) target_semaphore(%arg21 : memref<!tpu.dma_semaphore, #tpu.memory_space<semaphore_mem>>)
        %dma_start3A_324 = arith.constant 0 : i32
        %dma_start3A_325 = tpu.memref_slice %arg5[%mul3A_321, %dma_start3A_324] : memref<320000x128xf32, #tpu.memory_space<hbm>> -> memref<40x128xf32, #tpu.memory_space<hbm>>
        %dma_start3A_326 = arith.constant 0 : i32
        %dma_start3A_327 = tpu.memref_slice %arg5[%mul3A_321, %dma_start3A_326] : memref<320000x128xf32, #tpu.memory_space<hbm>> -> memref<40x128xf32, #tpu.memory_space<hbm>>
        tpu.enqueue_dma source(%dma_start3A_327 : memref<40x128xf32, #tpu.memory_space<hbm>>) target(%arg16 : memref<40x128xf32, #tpu.memory_space<vmem>>) target_semaphore(%arg21 : memref<!tpu.dma_semaphore, #tpu.memory_space<semaphore_mem>>)
        %dma_start3A_328 = tpu.memref_slice %arg4[%mul3A_321] : memref<320000xi32, #tpu.memory_space<hbm>> -> memref<40xi32, #tpu.memory_space<hbm>>
        %dma_start3A_329 = tpu.memref_slice %arg4[%mul3A_321] : memref<320000xi32, #tpu.memory_space<hbm>> -> memref<40xi32, #tpu.memory_space<hbm>>
        tpu.enqueue_dma source(%dma_start3A_329 : memref<40xi32, #tpu.memory_space<hbm>>) target(%arg12 : memref<40xi32, #tpu.memory_space<vmem>>) target_semaphore(%arg29 : memref<!tpu.dma_semaphore, #tpu.memory_space<semaphore_mem>>)
      } else {
      }
      %jit3A_153 = arith.constant 2 : i32
      %eq3A_154 = arith.constant 0 : i32
      %eq3A_155 = arith.cmpi eq, %jit3A_153, %eq3A_154 : i32
      %jit3A_156 = arith.constant 1 : i32
      %select_n3A_157 = arith.select %eq3A_155, %jit3A_156, %jit3A_153 : i32
      %rem3A_158 = arith.remsi %scan3A_59, %select_n3A_157 : i32
      %ne3A_159 = arith.constant 0 : i32
      %ne3A_160 = arith.cmpi ne, %rem3A_158, %ne3A_159 : i32
      %lt3A_161 = arith.constant 0 : i32
      %lt3A_162 = arith.cmpi slt, %rem3A_158, %lt3A_161 : i32
      %lt3A_163 = arith.constant 0 : i32
      %lt3A_164 = arith.cmpi slt, %select_n3A_157, %lt3A_163 : i32
      %ne3A_165 = arith.xori %lt3A_162, %lt3A_164 : i1
      %and3A_166 = arith.andi %ne3A_165, %ne3A_160 : i1
      %add3A_167 = arith.addi %rem3A_158, %select_n3A_157 : i32
      %select_n3A_168 = arith.select %and3A_166, %add3A_167, %rem3A_158 : i32
      %eq3A_169 = arith.constant 1 : i32
      %eq3A_170 = arith.cmpi eq, %select_n3A_168, %eq3A_169 : i32
      %convert_element_type3A_171 = arith.extui %eq3A_170 : i1 to i32
      %cond3A_172 = arith.constant 0 : i32
      %cond3A_173 = arith.cmpi ne, %convert_element_type3A_171, %cond3A_172 : i32
      scf.if %cond3A_173 {
        %dma_start3A_315 = arith.constant 0 : i32
        %dma_start3A_316 = arith.constant 0 : i32
        %dma_start3A_317 = tpu.memref_slice %arg20[%dma_start3A_315, %dma_start3A_316] : memref<10112x128xf32, #tpu.memory_space<vmem_shared>> -> memref<10112x128xf32, #tpu.memory_space<vmem_shared>>
        tpu.enqueue_indirect_dma source(%arg18 : memref<40x128xf32, #tpu.memory_space<vmem>>) target(%dma_start3A_317 : memref<10112x128xf32, #tpu.memory_space<vmem_shared>>) offsets(%arg12 : memref<40xi32, #tpu.memory_space<vmem>>) semaphore(%arg25 : memref<!tpu.dma_semaphore, #tpu.memory_space<semaphore_mem>>) {add = true}
      } else {
      }
      %add3A_174 = arith.constant 2 : i32
      %add3A_175 = arith.addi %add3A_64, %add3A_174 : i32
      %lt3A_176 = arith.constant 250 : i32
      %lt3A_177 = arith.cmpi slt, %add3A_175, %lt3A_176 : i32
      %and3A_178 = arith.andi %lt3A_177, %eq3A_170 : i1
      %convert_element_type3A_179 = arith.extui %and3A_178 : i1 to i32
      %cond3A_180 = arith.constant 0 : i32
      %cond3A_181 = arith.cmpi ne, %convert_element_type3A_179, %cond3A_180 : i32
      scf.if %cond3A_181 {
        %add3A_315 = arith.constant 2 : i32
        %add3A_316 = arith.addi %add3A_64, %add3A_315 : i32
        %mul3A_317 = arith.constant 250 : i32
        %mul3A_318 = arith.muli %add3A, %mul3A_317 : i32
        %add3A_319 = arith.addi %mul3A_318, %add3A_316 : i32
        %mul3A_320 = arith.constant 40 : i32
        %mul3A_321 = arith.muli %add3A_319, %mul3A_320 : i32
        %dma_start3A_322 = tpu.memref_slice %arg3[%mul3A_321] : memref<320000xi32, #tpu.memory_space<hbm>> -> memref<40xi32, #tpu.memory_space<hbm>>
        %dma_start3A_323 = tpu.memref_slice %arg3[%mul3A_321] : memref<320000xi32, #tpu.memory_space<hbm>> -> memref<40xi32, #tpu.memory_space<hbm>>
        tpu.enqueue_dma source(%dma_start3A_323 : memref<40xi32, #tpu.memory_space<hbm>>) target(%arg8 : memref<40xi32, #tpu.memory_space<vmem>>) target_semaphore(%arg21 : memref<!tpu.dma_semaphore, #tpu.memory_space<semaphore_mem>>)
        %dma_start3A_324 = arith.constant 0 : i32
        %dma_start3A_325 = tpu.memref_slice %arg5[%mul3A_321, %dma_start3A_324] : memref<320000x128xf32, #tpu.memory_space<hbm>> -> memref<40x128xf32, #tpu.memory_space<hbm>>
        %dma_start3A_326 = arith.constant 0 : i32
        %dma_start3A_327 = tpu.memref_slice %arg5[%mul3A_321, %dma_start3A_326] : memref<320000x128xf32, #tpu.memory_space<hbm>> -> memref<40x128xf32, #tpu.memory_space<hbm>>
        tpu.enqueue_dma source(%dma_start3A_327 : memref<40x128xf32, #tpu.memory_space<hbm>>) target(%arg16 : memref<40x128xf32, #tpu.memory_space<vmem>>) target_semaphore(%arg21 : memref<!tpu.dma_semaphore, #tpu.memory_space<semaphore_mem>>)
        %dma_start3A_328 = tpu.memref_slice %arg4[%mul3A_321] : memref<320000xi32, #tpu.memory_space<hbm>> -> memref<40xi32, #tpu.memory_space<hbm>>
        %dma_start3A_329 = tpu.memref_slice %arg4[%mul3A_321] : memref<320000xi32, #tpu.memory_space<hbm>> -> memref<40xi32, #tpu.memory_space<hbm>>
        tpu.enqueue_dma source(%dma_start3A_329 : memref<40xi32, #tpu.memory_space<hbm>>) target(%arg10 : memref<40xi32, #tpu.memory_space<vmem>>) target_semaphore(%arg27 : memref<!tpu.dma_semaphore, #tpu.memory_space<semaphore_mem>>)
      } else {
      }
      %mul3A_182 = arith.constant 2 : i32
      %mul3A_183 = arith.muli %mul3A_182, %scan3A_59 : i32
      %add3A_184 = arith.constant 1 : i32
      %add3A_185 = arith.addi %mul3A_183, %add3A_184 : i32
      %dma_wait3A_186 = arith.constant 0 : i32
      %dma_wait3A_187 = arith.constant 0 : i32
      %dma_wait3A_188 = tpu.memref_slice %arg2[%dma_wait3A_186, %dma_wait3A_187] : memref<10000x128xf32, #tpu.memory_space<hbm>> -> memref<10000x128xf32, #tpu.memory_space<hbm>>
      tpu.wait_indirect_dma semaphore(%arg24 : memref<!tpu.dma_semaphore, #tpu.memory_space<semaphore_mem>>) src(%dma_wait3A_188 : memref<10000x128xf32, #tpu.memory_space<hbm>>) dst(%arg15 : memref<40x128xf32, #tpu.memory_space<vmem>>)
      %jit3A_189 = arith.constant 2 : i32
      %eq3A_190 = arith.constant 0 : i32
      %eq3A_191 = arith.cmpi eq, %jit3A_189, %eq3A_190 : i32
      %jit3A_192 = arith.constant 1 : i32
      %select_n3A_193 = arith.select %eq3A_191, %jit3A_192, %jit3A_189 : i32
      %rem3A_194 = arith.remsi %scan3A_59, %select_n3A_193 : i32
      %ne3A_195 = arith.constant 0 : i32
      %ne3A_196 = arith.cmpi ne, %rem3A_194, %ne3A_195 : i32
      %lt3A_197 = arith.constant 0 : i32
      %lt3A_198 = arith.cmpi slt, %rem3A_194, %lt3A_197 : i32
      %lt3A_199 = arith.constant 0 : i32
      %lt3A_200 = arith.cmpi slt, %select_n3A_193, %lt3A_199 : i32
      %ne3A_201 = arith.xori %lt3A_198, %lt3A_200 : i1
      %and3A_202 = arith.andi %ne3A_201, %ne3A_196 : i1
      %add3A_203 = arith.addi %rem3A_194, %select_n3A_193 : i32
      %select_n3A_204 = arith.select %and3A_202, %add3A_203, %rem3A_194 : i32
      %eq3A_205 = arith.constant 0 : i32
      %eq3A_206 = arith.cmpi eq, %select_n3A_204, %eq3A_205 : i32
      %add3A_207 = arith.constant 1 : i32
      %add3A_208 = arith.addi %add3A_185, %add3A_207 : i32
      %lt3A_209 = arith.constant 250 : i32
      %lt3A_210 = arith.cmpi slt, %add3A_208, %lt3A_209 : i32
      %and3A_211 = arith.andi %lt3A_210, %eq3A_206 : i1
      %convert_element_type3A_212 = arith.extui %and3A_211 : i1 to i32
      %cond3A_213 = arith.constant 0 : i32
      %cond3A_214 = arith.cmpi ne, %convert_element_type3A_212, %cond3A_213 : i32
      scf.if %cond3A_214 {
        %add3A_315 = arith.constant 1 : i32
        %add3A_316 = arith.addi %add3A_185, %add3A_315 : i32
        %mul3A_317 = arith.constant 250 : i32
        %mul3A_318 = arith.muli %add3A, %mul3A_317 : i32
        %add3A_319 = arith.addi %mul3A_318, %add3A_316 : i32
        %mul3A_320 = arith.constant 40 : i32
        %mul3A_321 = arith.muli %add3A_319, %mul3A_320 : i32
        %dma_wait3A_322 = tpu.memref_slice %arg3[%mul3A_321] : memref<320000xi32, #tpu.memory_space<hbm>> -> memref<40xi32, #tpu.memory_space<hbm>>
        %dma_wait3A_323 = tpu.memref_slice %arg3[%mul3A_321] : memref<320000xi32, #tpu.memory_space<hbm>> -> memref<40xi32, #tpu.memory_space<hbm>>
        tpu.wait_dma2 semaphore(%arg21 : memref<!tpu.dma_semaphore, #tpu.memory_space<semaphore_mem>>) src(%dma_wait3A_323 : memref<40xi32, #tpu.memory_space<hbm>>) dst(%arg8 : memref<40xi32, #tpu.memory_space<vmem>>)
        %dma_wait3A_324 = arith.constant 0 : i32
        %dma_wait3A_325 = tpu.memref_slice %arg5[%mul3A_321, %dma_wait3A_324] : memref<320000x128xf32, #tpu.memory_space<hbm>> -> memref<40x128xf32, #tpu.memory_space<hbm>>
        %dma_wait3A_326 = arith.constant 0 : i32
        %dma_wait3A_327 = tpu.memref_slice %arg5[%mul3A_321, %dma_wait3A_326] : memref<320000x128xf32, #tpu.memory_space<hbm>> -> memref<40x128xf32, #tpu.memory_space<hbm>>
        tpu.wait_dma2 semaphore(%arg21 : memref<!tpu.dma_semaphore, #tpu.memory_space<semaphore_mem>>) src(%dma_wait3A_327 : memref<40x128xf32, #tpu.memory_space<hbm>>) dst(%arg16 : memref<40x128xf32, #tpu.memory_space<vmem>>)
        %dma_wait3A_328 = tpu.memref_slice %arg4[%mul3A_321] : memref<320000xi32, #tpu.memory_space<hbm>> -> memref<40xi32, #tpu.memory_space<hbm>>
        %dma_wait3A_329 = tpu.memref_slice %arg4[%mul3A_321] : memref<320000xi32, #tpu.memory_space<hbm>> -> memref<40xi32, #tpu.memory_space<hbm>>
        tpu.wait_dma2 semaphore(%arg29 : memref<!tpu.dma_semaphore, #tpu.memory_space<semaphore_mem>>) src(%dma_wait3A_329 : memref<40xi32, #tpu.memory_space<hbm>>) dst(%arg12 : memref<40xi32, #tpu.memory_space<vmem>>)
        %dma_start3A_330 = arith.constant 0 : i32
        %dma_start3A_331 = arith.constant 0 : i32
        %dma_start3A_332 = tpu.memref_slice %arg2[%dma_start3A_330, %dma_start3A_331] : memref<10000x128xf32, #tpu.memory_space<hbm>> -> memref<10000x128xf32, #tpu.memory_space<hbm>>
        tpu.enqueue_indirect_dma source(%dma_start3A_332 : memref<10000x128xf32, #tpu.memory_space<hbm>>) target(%arg14 : memref<40x128xf32, #tpu.memory_space<vmem>>) offsets(%arg8 : memref<40xi32, #tpu.memory_space<vmem>>) semaphore(%arg23 : memref<!tpu.dma_semaphore, #tpu.memory_space<semaphore_mem>>)
      } else {
      }
      %ge3A_215 = arith.constant 2 : i32
      %ge3A_216 = arith.cmpi sge, %add3A_185, %ge3A_215 : i32
      %and3A_217 = arith.andi %ge3A_216, %eq3A_206 : i1
      %convert_element_type3A_218 = arith.extui %and3A_217 : i1 to i32
      %cond3A_219 = arith.constant 0 : i32
      %cond3A_220 = arith.cmpi ne, %convert_element_type3A_218, %cond3A_219 : i32
      scf.if %cond3A_220 {
        %dma_wait3A_315 = arith.constant 0 : i32
        %dma_wait3A_316 = arith.constant 0 : i32
        %dma_wait3A_317 = tpu.memref_slice %arg20[%dma_wait3A_315, %dma_wait3A_316] : memref<10112x128xf32, #tpu.memory_space<vmem_shared>> -> memref<10112x128xf32, #tpu.memory_space<vmem_shared>>
        tpu.wait_indirect_dma semaphore(%arg26 : memref<!tpu.dma_semaphore, #tpu.memory_space<semaphore_mem>>) src(%arg19 : memref<40x128xf32, #tpu.memory_space<vmem>>) dst(%dma_wait3A_317 : memref<10112x128xf32, #tpu.memory_space<vmem_shared>>)
      } else {
      }
      %jit3A_221 = arith.constant 2 : i32
      %eq3A_222 = arith.constant 0 : i32
      %eq3A_223 = arith.cmpi eq, %jit3A_221, %eq3A_222 : i32
      %jit3A_224 = arith.constant 1 : i32
      %select_n3A_225 = arith.select %eq3A_223, %jit3A_224, %jit3A_221 : i32
      %rem3A_226 = arith.remsi %scan3A_59, %select_n3A_225 : i32
      %ne3A_227 = arith.constant 0 : i32
      %ne3A_228 = arith.cmpi ne, %rem3A_226, %ne3A_227 : i32
      %lt3A_229 = arith.constant 0 : i32
      %lt3A_230 = arith.cmpi slt, %rem3A_226, %lt3A_229 : i32
      %lt3A_231 = arith.constant 0 : i32
      %lt3A_232 = arith.cmpi slt, %select_n3A_225, %lt3A_231 : i32
      %ne3A_233 = arith.xori %lt3A_230, %lt3A_232 : i1
      %and3A_234 = arith.andi %ne3A_233, %ne3A_228 : i1
      %add3A_235 = arith.addi %rem3A_226, %select_n3A_225 : i32
      %select_n3A_236 = arith.select %and3A_234, %add3A_235, %rem3A_226 : i32
      %eq3A_237 = arith.constant 1 : i32
      %eq3A_238 = arith.cmpi eq, %select_n3A_236, %eq3A_237 : i32
      %add3A_239 = arith.constant 1 : i32
      %add3A_240 = arith.addi %add3A_185, %add3A_239 : i32
      %lt3A_241 = arith.constant 250 : i32
      %lt3A_242 = arith.cmpi slt, %add3A_240, %lt3A_241 : i32
      %and3A_243 = arith.andi %lt3A_242, %eq3A_238 : i1
      %convert_element_type3A_244 = arith.extui %and3A_243 : i1 to i32
      %cond3A_245 = arith.constant 0 : i32
      %cond3A_246 = arith.cmpi ne, %convert_element_type3A_244, %cond3A_245 : i32
      scf.if %cond3A_246 {
        %add3A_315 = arith.constant 1 : i32
        %add3A_316 = arith.addi %add3A_185, %add3A_315 : i32
        %mul3A_317 = arith.constant 250 : i32
        %mul3A_318 = arith.muli %add3A, %mul3A_317 : i32
        %add3A_319 = arith.addi %mul3A_318, %add3A_316 : i32
        %mul3A_320 = arith.constant 40 : i32
        %mul3A_321 = arith.muli %add3A_319, %mul3A_320 : i32
        %dma_wait3A_322 = tpu.memref_slice %arg3[%mul3A_321] : memref<320000xi32, #tpu.memory_space<hbm>> -> memref<40xi32, #tpu.memory_space<hbm>>
        %dma_wait3A_323 = tpu.memref_slice %arg3[%mul3A_321] : memref<320000xi32, #tpu.memory_space<hbm>> -> memref<40xi32, #tpu.memory_space<hbm>>
        tpu.wait_dma2 semaphore(%arg21 : memref<!tpu.dma_semaphore, #tpu.memory_space<semaphore_mem>>) src(%dma_wait3A_323 : memref<40xi32, #tpu.memory_space<hbm>>) dst(%arg8 : memref<40xi32, #tpu.memory_space<vmem>>)
        %dma_wait3A_324 = arith.constant 0 : i32
        %dma_wait3A_325 = tpu.memref_slice %arg5[%mul3A_321, %dma_wait3A_324] : memref<320000x128xf32, #tpu.memory_space<hbm>> -> memref<40x128xf32, #tpu.memory_space<hbm>>
        %dma_wait3A_326 = arith.constant 0 : i32
        %dma_wait3A_327 = tpu.memref_slice %arg5[%mul3A_321, %dma_wait3A_326] : memref<320000x128xf32, #tpu.memory_space<hbm>> -> memref<40x128xf32, #tpu.memory_space<hbm>>
        tpu.wait_dma2 semaphore(%arg21 : memref<!tpu.dma_semaphore, #tpu.memory_space<semaphore_mem>>) src(%dma_wait3A_327 : memref<40x128xf32, #tpu.memory_space<hbm>>) dst(%arg16 : memref<40x128xf32, #tpu.memory_space<vmem>>)
        %dma_wait3A_328 = tpu.memref_slice %arg4[%mul3A_321] : memref<320000xi32, #tpu.memory_space<hbm>> -> memref<40xi32, #tpu.memory_space<hbm>>
        %dma_wait3A_329 = tpu.memref_slice %arg4[%mul3A_321] : memref<320000xi32, #tpu.memory_space<hbm>> -> memref<40xi32, #tpu.memory_space<hbm>>
        tpu.wait_dma2 semaphore(%arg27 : memref<!tpu.dma_semaphore, #tpu.memory_space<semaphore_mem>>) src(%dma_wait3A_329 : memref<40xi32, #tpu.memory_space<hbm>>) dst(%arg10 : memref<40xi32, #tpu.memory_space<vmem>>)
        %dma_start3A_330 = arith.constant 0 : i32
        %dma_start3A_331 = arith.constant 0 : i32
        %dma_start3A_332 = tpu.memref_slice %arg2[%dma_start3A_330, %dma_start3A_331] : memref<10000x128xf32, #tpu.memory_space<hbm>> -> memref<10000x128xf32, #tpu.memory_space<hbm>>
        tpu.enqueue_indirect_dma source(%dma_start3A_332 : memref<10000x128xf32, #tpu.memory_space<hbm>>) target(%arg14 : memref<40x128xf32, #tpu.memory_space<vmem>>) offsets(%arg8 : memref<40xi32, #tpu.memory_space<vmem>>) semaphore(%arg23 : memref<!tpu.dma_semaphore, #tpu.memory_space<semaphore_mem>>)
      } else {
      }
      %ge3A_247 = arith.constant 2 : i32
      %ge3A_248 = arith.cmpi sge, %add3A_185, %ge3A_247 : i32
      %and3A_249 = arith.andi %ge3A_248, %eq3A_238 : i1
      %convert_element_type3A_250 = arith.extui %and3A_249 : i1 to i32
      %cond3A_251 = arith.constant 0 : i32
      %cond3A_252 = arith.cmpi ne, %convert_element_type3A_250, %cond3A_251 : i32
      scf.if %cond3A_252 {
        %dma_wait3A_315 = arith.constant 0 : i32
        %dma_wait3A_316 = arith.constant 0 : i32
        %dma_wait3A_317 = tpu.memref_slice %arg20[%dma_wait3A_315, %dma_wait3A_316] : memref<10112x128xf32, #tpu.memory_space<vmem_shared>> -> memref<10112x128xf32, #tpu.memory_space<vmem_shared>>
        tpu.wait_indirect_dma semaphore(%arg26 : memref<!tpu.dma_semaphore, #tpu.memory_space<semaphore_mem>>) src(%arg19 : memref<40x128xf32, #tpu.memory_space<vmem>>) dst(%dma_wait3A_317 : memref<10112x128xf32, #tpu.memory_space<vmem_shared>>)
      } else {
      }
      %parallel_loop3A_253 = arith.constant 0 : i32
      %parallel_loop3A_254 = arith.constant 40 : i32
      %parallel_loop3A_255 = arith.constant 1 : i32
      scf.for %parallel_loop3A_315 = %parallel_loop3A_253 to %parallel_loop3A_254 step %parallel_loop3A_255  : i32 {
        %parallel_loop3A_316 = arith.index_cast %parallel_loop3A_315 : i32 to index
        %parallel_loop3A_317 = arith.constant 0 : index
        %parallel_loop3A_318 = tpu.vector_load %arg15[%parallel_loop3A_316, %parallel_loop3A_317] {strides = array<i32>} : memref<40x128xf32, #tpu.memory_space<vmem>>, vector<1x16xf32>,
        %parallel_loop3A_319 = vector.shape_cast %parallel_loop3A_318 : vector<1x16xf32> to vector<16xf32>
        %parallel_loop3A_320 = arith.index_cast %parallel_loop3A_315 : i32 to index
        %parallel_loop3A_321 = arith.constant 0 : index
        %parallel_loop3A_322 = tpu.vector_load %arg17[%parallel_loop3A_320, %parallel_loop3A_321] {strides = array<i32>} : memref<40x128xf32, #tpu.memory_space<vmem>>, vector<1x16xf32>,
        %parallel_loop3A_323 = vector.shape_cast %parallel_loop3A_322 : vector<1x16xf32> to vector<16xf32>
        %parallel_loop3A_324 = arith.addf %parallel_loop3A_319, %parallel_loop3A_323 : vector<16xf32>
        %parallel_loop3A_325 = arith.constant 0.000000e+00 : f32
        %parallel_loop3A_326 = vector.broadcast %parallel_loop3A_325 : f32 to vector<16xf32>
        %parallel_loop3A_327 = arith.maximumf %parallel_loop3A_324, %parallel_loop3A_326 : vector<16xf32>
        %parallel_loop3A_328 = arith.index_cast %parallel_loop3A_315 : i32 to index
        %parallel_loop3A_329 = arith.constant 0 : index
        %parallel_loop3A_330 = tpu.vector_load %arg19[%parallel_loop3A_328, %parallel_loop3A_329] {strides = array<i32>} : memref<40x128xf32, #tpu.memory_space<vmem>>, vector<1x16xf32>,
        %parallel_loop3A_331 = vector.shape_cast %parallel_loop3A_330 : vector<1x16xf32> to vector<16xf32>
        %parallel_loop3A_332 = vector.shape_cast %parallel_loop3A_327 : vector<16xf32> to vector<1x16xf32>
        tpu.vector_store %arg19[%parallel_loop3A_328, %parallel_loop3A_329], %parallel_loop3A_332 {strides = array<i32>} : memref<40x128xf32, #tpu.memory_space<vmem>>, vector<1x16xf32>,
        %parallel_loop3A_333 = arith.index_cast %parallel_loop3A_315 : i32 to index
        %parallel_loop3A_334 = arith.constant 16 : index
        %parallel_loop3A_335 = tpu.vector_load %arg15[%parallel_loop3A_333, %parallel_loop3A_334] {strides = array<i32>} : memref<40x128xf32, #tpu.memory_space<vmem>>, vector<1x16xf32>,
        %parallel_loop3A_336 = vector.shape_cast %parallel_loop3A_335 : vector<1x16xf32> to vector<16xf32>
        %parallel_loop3A_337 = arith.index_cast %parallel_loop3A_315 : i32 to index
        %parallel_loop3A_338 = arith.constant 16 : index
        %parallel_loop3A_339 = tpu.vector_load %arg17[%parallel_loop3A_337, %parallel_loop3A_338] {strides = array<i32>} : memref<40x128xf32, #tpu.memory_space<vmem>>, vector<1x16xf32>,
        %parallel_loop3A_340 = vector.shape_cast %parallel_loop3A_339 : vector<1x16xf32> to vector<16xf32>
        %parallel_loop3A_341 = arith.addf %parallel_loop3A_336, %parallel_loop3A_340 : vector<16xf32>
        %parallel_loop3A_342 = arith.constant 0.000000e+00 : f32
        %parallel_loop3A_343 = vector.broadcast %parallel_loop3A_342 : f32 to vector<16xf32>
        %parallel_loop3A_344 = arith.maximumf %parallel_loop3A_341, %parallel_loop3A_343 : vector<16xf32>
        %parallel_loop3A_345 = arith.index_cast %parallel_loop3A_315 : i32 to index
        %parallel_loop3A_346 = arith.constant 16 : index
        %parallel_loop3A_347 = tpu.vector_load %arg19[%parallel_loop3A_345, %parallel_loop3A_346] {strides = array<i32>} : memref<40x128xf32, #tpu.memory_space<vmem>>, vector<1x16xf32>,
        %parallel_loop3A_348 = vector.shape_cast %parallel_loop3A_347 : vector<1x16xf32> to vector<16xf32>
        %parallel_loop3A_349 = vector.shape_cast %parallel_loop3A_344 : vector<16xf32> to vector<1x16xf32>
        tpu.vector_store %arg19[%parallel_loop3A_345, %parallel_loop3A_346], %parallel_loop3A_349 {strides = array<i32>} : memref<40x128xf32, #tpu.memory_space<vmem>>, vector<1x16xf32>,
        %parallel_loop3A_350 = arith.index_cast %parallel_loop3A_315 : i32 to index
        %parallel_loop3A_351 = arith.constant 32 : index
        %parallel_loop3A_352 = tpu.vector_load %arg15[%parallel_loop3A_350, %parallel_loop3A_351] {strides = array<i32>} : memref<40x128xf32, #tpu.memory_space<vmem>>, vector<1x16xf32>,
        %parallel_loop3A_353 = vector.shape_cast %parallel_loop3A_352 : vector<1x16xf32> to vector<16xf32>
        %parallel_loop3A_354 = arith.index_cast %parallel_loop3A_315 : i32 to index
        %parallel_loop3A_355 = arith.constant 32 : index
        %parallel_loop3A_356 = tpu.vector_load %arg17[%parallel_loop3A_354, %parallel_loop3A_355] {strides = array<i32>} : memref<40x128xf32, #tpu.memory_space<vmem>>, vector<1x16xf32>,
        %parallel_loop3A_357 = vector.shape_cast %parallel_loop3A_356 : vector<1x16xf32> to vector<16xf32>
        %parallel_loop3A_358 = arith.addf %parallel_loop3A_353, %parallel_loop3A_357 : vector<16xf32>
        %parallel_loop3A_359 = arith.constant 0.000000e+00 : f32
        %parallel_loop3A_360 = vector.broadcast %parallel_loop3A_359 : f32 to vector<16xf32>
        %parallel_loop3A_361 = arith.maximumf %parallel_loop3A_358, %parallel_loop3A_360 : vector<16xf32>
        %parallel_loop3A_362 = arith.index_cast %parallel_loop3A_315 : i32 to index
        %parallel_loop3A_363 = arith.constant 32 : index
        %parallel_loop3A_364 = tpu.vector_load %arg19[%parallel_loop3A_362, %parallel_loop3A_363] {strides = array<i32>} : memref<40x128xf32, #tpu.memory_space<vmem>>, vector<1x16xf32>,
        %parallel_loop3A_365 = vector.shape_cast %parallel_loop3A_364 : vector<1x16xf32> to vector<16xf32>
        %parallel_loop3A_366 = vector.shape_cast %parallel_loop3A_361 : vector<16xf32> to vector<1x16xf32>
        tpu.vector_store %arg19[%parallel_loop3A_362, %parallel_loop3A_363], %parallel_loop3A_366 {strides = array<i32>} : memref<40x128xf32, #tpu.memory_space<vmem>>, vector<1x16xf32>,
        %parallel_loop3A_367 = arith.index_cast %parallel_loop3A_315 : i32 to index
        %parallel_loop3A_368 = arith.constant 48 : index
        %parallel_loop3A_369 = tpu.vector_load %arg15[%parallel_loop3A_367, %parallel_loop3A_368] {strides = array<i32>} : memref<40x128xf32, #tpu.memory_space<vmem>>, vector<1x16xf32>,
        %parallel_loop3A_370 = vector.shape_cast %parallel_loop3A_369 : vector<1x16xf32> to vector<16xf32>
        %parallel_loop3A_371 = arith.index_cast %parallel_loop3A_315 : i32 to index
        %parallel_loop3A_372 = arith.constant 48 : index
        %parallel_loop3A_373 = tpu.vector_load %arg17[%parallel_loop3A_371, %parallel_loop3A_372] {strides = array<i32>} : memref<40x128xf32, #tpu.memory_space<vmem>>, vector<1x16xf32>,
        %parallel_loop3A_374 = vector.shape_cast %parallel_loop3A_373 : vector<1x16xf32> to vector<16xf32>
        %parallel_loop3A_375 = arith.addf %parallel_loop3A_370, %parallel_loop3A_374 : vector<16xf32>
        %parallel_loop3A_376 = arith.constant 0.000000e+00 : f32
        %parallel_loop3A_377 = vector.broadcast %parallel_loop3A_376 : f32 to vector<16xf32>
        %parallel_loop3A_378 = arith.maximumf %parallel_loop3A_375, %parallel_loop3A_377 : vector<16xf32>
        %parallel_loop3A_379 = arith.index_cast %parallel_loop3A_315 : i32 to index
        %parallel_loop3A_380 = arith.constant 48 : index
        %parallel_loop3A_381 = tpu.vector_load %arg19[%parallel_loop3A_379, %parallel_loop3A_380] {strides = array<i32>} : memref<40x128xf32, #tpu.memory_space<vmem>>, vector<1x16xf32>,
        %parallel_loop3A_382 = vector.shape_cast %parallel_loop3A_381 : vector<1x16xf32> to vector<16xf32>
        %parallel_loop3A_383 = vector.shape_cast %parallel_loop3A_378 : vector<16xf32> to vector<1x16xf32>
        tpu.vector_store %arg19[%parallel_loop3A_379, %parallel_loop3A_380], %parallel_loop3A_383 {strides = array<i32>} : memref<40x128xf32, #tpu.memory_space<vmem>>, vector<1x16xf32>,
        %parallel_loop3A_384 = arith.index_cast %parallel_loop3A_315 : i32 to index
        %parallel_loop3A_385 = arith.constant 64 : index
        %parallel_loop3A_386 = tpu.vector_load %arg15[%parallel_loop3A_384, %parallel_loop3A_385] {strides = array<i32>} : memref<40x128xf32, #tpu.memory_space<vmem>>, vector<1x16xf32>,
        %parallel_loop3A_387 = vector.shape_cast %parallel_loop3A_386 : vector<1x16xf32> to vector<16xf32>
        %parallel_loop3A_388 = arith.index_cast %parallel_loop3A_315 : i32 to index
        %parallel_loop3A_389 = arith.constant 64 : index
        %parallel_loop3A_390 = tpu.vector_load %arg17[%parallel_loop3A_388, %parallel_loop3A_389] {strides = array<i32>} : memref<40x128xf32, #tpu.memory_space<vmem>>, vector<1x16xf32>,
        %parallel_loop3A_391 = vector.shape_cast %parallel_loop3A_390 : vector<1x16xf32> to vector<16xf32>
        %parallel_loop3A_392 = arith.addf %parallel_loop3A_387, %parallel_loop3A_391 : vector<16xf32>
        %parallel_loop3A_393 = arith.constant 0.000000e+00 : f32
        %parallel_loop3A_394 = vector.broadcast %parallel_loop3A_393 : f32 to vector<16xf32>
        %parallel_loop3A_395 = arith.maximumf %parallel_loop3A_392, %parallel_loop3A_394 : vector<16xf32>
        %parallel_loop3A_396 = arith.index_cast %parallel_loop3A_315 : i32 to index
        %parallel_loop3A_397 = arith.constant 64 : index
        %parallel_loop3A_398 = tpu.vector_load %arg19[%parallel_loop3A_396, %parallel_loop3A_397] {strides = array<i32>} : memref<40x128xf32, #tpu.memory_space<vmem>>, vector<1x16xf32>,
        %parallel_loop3A_399 = vector.shape_cast %parallel_loop3A_398 : vector<1x16xf32> to vector<16xf32>
        %parallel_loop3A_400 = vector.shape_cast %parallel_loop3A_395 : vector<16xf32> to vector<1x16xf32>
        tpu.vector_store %arg19[%parallel_loop3A_396, %parallel_loop3A_397], %parallel_loop3A_400 {strides = array<i32>} : memref<40x128xf32, #tpu.memory_space<vmem>>, vector<1x16xf32>,
        %parallel_loop3A_401 = arith.index_cast %parallel_loop3A_315 : i32 to index
        %parallel_loop3A_402 = arith.constant 80 : index
        %parallel_loop3A_403 = tpu.vector_load %arg15[%parallel_loop3A_401, %parallel_loop3A_402] {strides = array<i32>} : memref<40x128xf32, #tpu.memory_space<vmem>>, vector<1x16xf32>,
        %parallel_loop3A_404 = vector.shape_cast %parallel_loop3A_403 : vector<1x16xf32> to vector<16xf32>
        %parallel_loop3A_405 = arith.index_cast %parallel_loop3A_315 : i32 to index
        %parallel_loop3A_406 = arith.constant 80 : index
        %parallel_loop3A_407 = tpu.vector_load %arg17[%parallel_loop3A_405, %parallel_loop3A_406] {strides = array<i32>} : memref<40x128xf32, #tpu.memory_space<vmem>>, vector<1x16xf32>,
        %parallel_loop3A_408 = vector.shape_cast %parallel_loop3A_407 : vector<1x16xf32> to vector<16xf32>
        %parallel_loop3A_409 = arith.addf %parallel_loop3A_404, %parallel_loop3A_408 : vector<16xf32>
        %parallel_loop3A_410 = arith.constant 0.000000e+00 : f32
        %parallel_loop3A_411 = vector.broadcast %parallel_loop3A_410 : f32 to vector<16xf32>
        %parallel_loop3A_412 = arith.maximumf %parallel_loop3A_409, %parallel_loop3A_411 : vector<16xf32>
        %parallel_loop3A_413 = arith.index_cast %parallel_loop3A_315 : i32 to index
        %parallel_loop3A_414 = arith.constant 80 : index
        %parallel_loop3A_415 = tpu.vector_load %arg19[%parallel_loop3A_413, %parallel_loop3A_414] {strides = array<i32>} : memref<40x128xf32, #tpu.memory_space<vmem>>, vector<1x16xf32>,
        %parallel_loop3A_416 = vector.shape_cast %parallel_loop3A_415 : vector<1x16xf32> to vector<16xf32>
        %parallel_loop3A_417 = vector.shape_cast %parallel_loop3A_412 : vector<16xf32> to vector<1x16xf32>
        tpu.vector_store %arg19[%parallel_loop3A_413, %parallel_loop3A_414], %parallel_loop3A_417 {strides = array<i32>} : memref<40x128xf32, #tpu.memory_space<vmem>>, vector<1x16xf32>,
        %parallel_loop3A_418 = arith.index_cast %parallel_loop3A_315 : i32 to index
        %parallel_loop3A_419 = arith.constant 96 : index
        %parallel_loop3A_420 = tpu.vector_load %arg15[%parallel_loop3A_418, %parallel_loop3A_419] {strides = array<i32>} : memref<40x128xf32, #tpu.memory_space<vmem>>, vector<1x16xf32>,
        %parallel_loop3A_421 = vector.shape_cast %parallel_loop3A_420 : vector<1x16xf32> to vector<16xf32>
        %parallel_loop3A_422 = arith.index_cast %parallel_loop3A_315 : i32 to index
        %parallel_loop3A_423 = arith.constant 96 : index
        %parallel_loop3A_424 = tpu.vector_load %arg17[%parallel_loop3A_422, %parallel_loop3A_423] {strides = array<i32>} : memref<40x128xf32, #tpu.memory_space<vmem>>, vector<1x16xf32>,
        %parallel_loop3A_425 = vector.shape_cast %parallel_loop3A_424 : vector<1x16xf32> to vector<16xf32>
        %parallel_loop3A_426 = arith.addf %parallel_loop3A_421, %parallel_loop3A_425 : vector<16xf32>
        %parallel_loop3A_427 = arith.constant 0.000000e+00 : f32
        %parallel_loop3A_428 = vector.broadcast %parallel_loop3A_427 : f32 to vector<16xf32>
        %parallel_loop3A_429 = arith.maximumf %parallel_loop3A_426, %parallel_loop3A_428 : vector<16xf32>
        %parallel_loop3A_430 = arith.index_cast %parallel_loop3A_315 : i32 to index
        %parallel_loop3A_431 = arith.constant 96 : index
        %parallel_loop3A_432 = tpu.vector_load %arg19[%parallel_loop3A_430, %parallel_loop3A_431] {strides = array<i32>} : memref<40x128xf32, #tpu.memory_space<vmem>>, vector<1x16xf32>,
        %parallel_loop3A_433 = vector.shape_cast %parallel_loop3A_432 : vector<1x16xf32> to vector<16xf32>
        %parallel_loop3A_434 = vector.shape_cast %parallel_loop3A_429 : vector<16xf32> to vector<1x16xf32>
        tpu.vector_store %arg19[%parallel_loop3A_430, %parallel_loop3A_431], %parallel_loop3A_434 {strides = array<i32>} : memref<40x128xf32, #tpu.memory_space<vmem>>, vector<1x16xf32>,
        %parallel_loop3A_435 = arith.index_cast %parallel_loop3A_315 : i32 to index
        %parallel_loop3A_436 = arith.constant 112 : index
        %parallel_loop3A_437 = tpu.vector_load %arg15[%parallel_loop3A_435, %parallel_loop3A_436] {strides = array<i32>} : memref<40x128xf32, #tpu.memory_space<vmem>>, vector<1x16xf32>,
        %parallel_loop3A_438 = vector.shape_cast %parallel_loop3A_437 : vector<1x16xf32> to vector<16xf32>
        %parallel_loop3A_439 = arith.index_cast %parallel_loop3A_315 : i32 to index
        %parallel_loop3A_440 = arith.constant 112 : index
        %parallel_loop3A_441 = tpu.vector_load %arg17[%parallel_loop3A_439, %parallel_loop3A_440] {strides = array<i32>} : memref<40x128xf32, #tpu.memory_space<vmem>>, vector<1x16xf32>,
        %parallel_loop3A_442 = vector.shape_cast %parallel_loop3A_441 : vector<1x16xf32> to vector<16xf32>
        %parallel_loop3A_443 = arith.addf %parallel_loop3A_438, %parallel_loop3A_442 : vector<16xf32>
        %parallel_loop3A_444 = arith.constant 0.000000e+00 : f32
        %parallel_loop3A_445 = vector.broadcast %parallel_loop3A_444 : f32 to vector<16xf32>
        %parallel_loop3A_446 = arith.maximumf %parallel_loop3A_443, %parallel_loop3A_445 : vector<16xf32>
        %parallel_loop3A_447 = arith.index_cast %parallel_loop3A_315 : i32 to index
        %parallel_loop3A_448 = arith.constant 112 : index
        %parallel_loop3A_449 = tpu.vector_load %arg19[%parallel_loop3A_447, %parallel_loop3A_448] {strides = array<i32>} : memref<40x128xf32, #tpu.memory_space<vmem>>, vector<1x16xf32>,
        %parallel_loop3A_450 = vector.shape_cast %parallel_loop3A_449 : vector<1x16xf32> to vector<16xf32>
        %parallel_loop3A_451 = vector.shape_cast %parallel_loop3A_446 : vector<16xf32> to vector<1x16xf32>
        tpu.vector_store %arg19[%parallel_loop3A_447, %parallel_loop3A_448], %parallel_loop3A_451 {strides = array<i32>} : memref<40x128xf32, #tpu.memory_space<vmem>>, vector<1x16xf32>,
      } {sc.loop_unroll_factor = 4 : i64, sc.parallel_access}
      %jit3A_256 = arith.constant 2 : i32
      %eq3A_257 = arith.constant 0 : i32
      %eq3A_258 = arith.cmpi eq, %jit3A_256, %eq3A_257 : i32
      %jit3A_259 = arith.constant 1 : i32
      %select_n3A_260 = arith.select %eq3A_258, %jit3A_259, %jit3A_256 : i32
      %rem3A_261 = arith.remsi %scan3A_59, %select_n3A_260 : i32
      %ne3A_262 = arith.constant 0 : i32
      %ne3A_263 = arith.cmpi ne, %rem3A_261, %ne3A_262 : i32
      %lt3A_264 = arith.constant 0 : i32
      %lt3A_265 = arith.cmpi slt, %rem3A_261, %lt3A_264 : i32
      %lt3A_266 = arith.constant 0 : i32
      %lt3A_267 = arith.cmpi slt, %select_n3A_260, %lt3A_266 : i32
      %ne3A_268 = arith.xori %lt3A_265, %lt3A_267 : i1
      %and3A_269 = arith.andi %ne3A_268, %ne3A_263 : i1
      %add3A_270 = arith.addi %rem3A_261, %select_n3A_260 : i32
      %select_n3A_271 = arith.select %and3A_269, %add3A_270, %rem3A_261 : i32
      %eq3A_272 = arith.constant 0 : i32
      %eq3A_273 = arith.cmpi eq, %select_n3A_271, %eq3A_272 : i32
      %convert_element_type3A_274 = arith.extui %eq3A_273 : i1 to i32
      %cond3A_275 = arith.constant 0 : i32
      %cond3A_276 = arith.cmpi ne, %convert_element_type3A_274, %cond3A_275 : i32
      scf.if %cond3A_276 {
        %dma_start3A_315 = arith.constant 0 : i32
        %dma_start3A_316 = arith.constant 0 : i32
        %dma_start3A_317 = tpu.memref_slice %arg20[%dma_start3A_315, %dma_start3A_316] : memref<10112x128xf32, #tpu.memory_space<vmem_shared>> -> memref<10112x128xf32, #tpu.memory_space<vmem_shared>>
        tpu.enqueue_indirect_dma source(%arg19 : memref<40x128xf32, #tpu.memory_space<vmem>>) target(%dma_start3A_317 : memref<10112x128xf32, #tpu.memory_space<vmem_shared>>) offsets(%arg11 : memref<40xi32, #tpu.memory_space<vmem>>) semaphore(%arg26 : memref<!tpu.dma_semaphore, #tpu.memory_space<semaphore_mem>>) {add = true}
      } else {
      }
      %add3A_277 = arith.constant 2 : i32
      %add3A_278 = arith.addi %add3A_185, %add3A_277 : i32
      %lt3A_279 = arith.constant 250 : i32
      %lt3A_280 = arith.cmpi slt, %add3A_278, %lt3A_279 : i32
      %and3A_281 = arith.andi %lt3A_280, %eq3A_273 : i1
      %convert_element_type3A_282 = arith.extui %and3A_281 : i1 to i32
      %cond3A_283 = arith.constant 0 : i32
      %cond3A_284 = arith.cmpi ne, %convert_element_type3A_282, %cond3A_283 : i32
      scf.if %cond3A_284 {
        %add3A_315 = arith.constant 2 : i32
        %add3A_316 = arith.addi %add3A_185, %add3A_315 : i32
        %mul3A_317 = arith.constant 250 : i32
        %mul3A_318 = arith.muli %add3A, %mul3A_317 : i32
        %add3A_319 = arith.addi %mul3A_318, %add3A_316 : i32
        %mul3A_320 = arith.constant 40 : i32
        %mul3A_321 = arith.muli %add3A_319, %mul3A_320 : i32
        %dma_start3A_322 = tpu.memref_slice %arg3[%mul3A_321] : memref<320000xi32, #tpu.memory_space<hbm>> -> memref<40xi32, #tpu.memory_space<hbm>>
        %dma_start3A_323 = tpu.memref_slice %arg3[%mul3A_321] : memref<320000xi32, #tpu.memory_space<hbm>> -> memref<40xi32, #tpu.memory_space<hbm>>
        tpu.enqueue_dma source(%dma_start3A_323 : memref<40xi32, #tpu.memory_space<hbm>>) target(%arg9 : memref<40xi32, #tpu.memory_space<vmem>>) target_semaphore(%arg22 : memref<!tpu.dma_semaphore, #tpu.memory_space<semaphore_mem>>)
        %dma_start3A_324 = arith.constant 0 : i32
        %dma_start3A_325 = tpu.memref_slice %arg5[%mul3A_321, %dma_start3A_324] : memref<320000x128xf32, #tpu.memory_space<hbm>> -> memref<40x128xf32, #tpu.memory_space<hbm>>
        %dma_start3A_326 = arith.constant 0 : i32
        %dma_start3A_327 = tpu.memref_slice %arg5[%mul3A_321, %dma_start3A_326] : memref<320000x128xf32, #tpu.memory_space<hbm>> -> memref<40x128xf32, #tpu.memory_space<hbm>>
        tpu.enqueue_dma source(%dma_start3A_327 : memref<40x128xf32, #tpu.memory_space<hbm>>) target(%arg17 : memref<40x128xf32, #tpu.memory_space<vmem>>) target_semaphore(%arg22 : memref<!tpu.dma_semaphore, #tpu.memory_space<semaphore_mem>>)
        %dma_start3A_328 = tpu.memref_slice %arg4[%mul3A_321] : memref<320000xi32, #tpu.memory_space<hbm>> -> memref<40xi32, #tpu.memory_space<hbm>>
        %dma_start3A_329 = tpu.memref_slice %arg4[%mul3A_321] : memref<320000xi32, #tpu.memory_space<hbm>> -> memref<40xi32, #tpu.memory_space<hbm>>
        tpu.enqueue_dma source(%dma_start3A_329 : memref<40xi32, #tpu.memory_space<hbm>>) target(%arg13 : memref<40xi32, #tpu.memory_space<vmem>>) target_semaphore(%arg30 : memref<!tpu.dma_semaphore, #tpu.memory_space<semaphore_mem>>)
      } else {
      }
      %jit3A_285 = arith.constant 2 : i32
      %eq3A_286 = arith.constant 0 : i32
      %eq3A_287 = arith.cmpi eq, %jit3A_285, %eq3A_286 : i32
      %jit3A_288 = arith.constant 1 : i32
      %select_n3A_289 = arith.select %eq3A_287, %jit3A_288, %jit3A_285 : i32
      %rem3A_290 = arith.remsi %scan3A_59, %select_n3A_289 : i32
      %ne3A_291 = arith.constant 0 : i32
      %ne3A_292 = arith.cmpi ne, %rem3A_290, %ne3A_291 : i32
      %lt3A_293 = arith.constant 0 : i32
      %lt3A_294 = arith.cmpi slt, %rem3A_290, %lt3A_293 : i32
      %lt3A_295 = arith.constant 0 : i32
      %lt3A_296 = arith.cmpi slt, %select_n3A_289, %lt3A_295 : i32
      %ne3A_297 = arith.xori %lt3A_294, %lt3A_296 : i1
      %and3A_298 = arith.andi %ne3A_297, %ne3A_292 : i1
      %add3A_299 = arith.addi %rem3A_290, %select_n3A_289 : i32
      %select_n3A_300 = arith.select %and3A_298, %add3A_299, %rem3A_290 : i32
      %eq3A_301 = arith.constant 1 : i32
      %eq3A_302 = arith.cmpi eq, %select_n3A_300, %eq3A_301 : i32
      %convert_element_type3A_303 = arith.extui %eq3A_302 : i1 to i32
      %cond3A_304 = arith.constant 0 : i32
      %cond3A_305 = arith.cmpi ne, %convert_element_type3A_303, %cond3A_304 : i32
      scf.if %cond3A_305 {
        %dma_start3A_315 = arith.constant 0 : i32
        %dma_start3A_316 = arith.constant 0 : i32
        %dma_start3A_317 = tpu.memref_slice %arg20[%dma_start3A_315, %dma_start3A_316] : memref<10112x128xf32, #tpu.memory_space<vmem_shared>> -> memref<10112x128xf32, #tpu.memory_space<vmem_shared>>
        tpu.enqueue_indirect_dma source(%arg19 : memref<40x128xf32, #tpu.memory_space<vmem>>) target(%dma_start3A_317 : memref<10112x128xf32, #tpu.memory_space<vmem_shared>>) offsets(%arg13 : memref<40xi32, #tpu.memory_space<vmem>>) semaphore(%arg26 : memref<!tpu.dma_semaphore, #tpu.memory_space<semaphore_mem>>) {add = true}
      } else {
      }
      %add3A_306 = arith.constant 2 : i32
      %add3A_307 = arith.addi %add3A_185, %add3A_306 : i32
      %lt3A_308 = arith.constant 250 : i32
      %lt3A_309 = arith.cmpi slt, %add3A_307, %lt3A_308 : i32
      %and3A_310 = arith.andi %lt3A_309, %eq3A_302 : i1
      %convert_element_type3A_311 = arith.extui %and3A_310 : i1 to i32
      %cond3A_312 = arith.constant 0 : i32
      %cond3A_313 = arith.cmpi ne, %convert_element_type3A_311, %cond3A_312 : i32
      scf.if %cond3A_313 {
        %add3A_315 = arith.constant 2 : i32
        %add3A_316 = arith.addi %add3A_185, %add3A_315 : i32
        %mul3A_317 = arith.constant 250 : i32
        %mul3A_318 = arith.muli %add3A, %mul3A_317 : i32
        %add3A_319 = arith.addi %mul3A_318, %add3A_316 : i32
        %mul3A_320 = arith.constant 40 : i32
        %mul3A_321 = arith.muli %add3A_319, %mul3A_320 : i32
        %dma_start3A_322 = tpu.memref_slice %arg3[%mul3A_321] : memref<320000xi32, #tpu.memory_space<hbm>> -> memref<40xi32, #tpu.memory_space<hbm>>
        %dma_start3A_323 = tpu.memref_slice %arg3[%mul3A_321] : memref<320000xi32, #tpu.memory_space<hbm>> -> memref<40xi32, #tpu.memory_space<hbm>>
        tpu.enqueue_dma source(%dma_start3A_323 : memref<40xi32, #tpu.memory_space<hbm>>) target(%arg9 : memref<40xi32, #tpu.memory_space<vmem>>) target_semaphore(%arg22 : memref<!tpu.dma_semaphore, #tpu.memory_space<semaphore_mem>>)
        %dma_start3A_324 = arith.constant 0 : i32
        %dma_start3A_325 = tpu.memref_slice %arg5[%mul3A_321, %dma_start3A_324] : memref<320000x128xf32, #tpu.memory_space<hbm>> -> memref<40x128xf32, #tpu.memory_space<hbm>>
        %dma_start3A_326 = arith.constant 0 : i32
        %dma_start3A_327 = tpu.memref_slice %arg5[%mul3A_321, %dma_start3A_326] : memref<320000x128xf32, #tpu.memory_space<hbm>> -> memref<40x128xf32, #tpu.memory_space<hbm>>
        tpu.enqueue_dma source(%dma_start3A_327 : memref<40x128xf32, #tpu.memory_space<hbm>>) target(%arg17 : memref<40x128xf32, #tpu.memory_space<vmem>>) target_semaphore(%arg22 : memref<!tpu.dma_semaphore, #tpu.memory_space<semaphore_mem>>)
        %dma_start3A_328 = tpu.memref_slice %arg4[%mul3A_321] : memref<320000xi32, #tpu.memory_space<hbm>> -> memref<40xi32, #tpu.memory_space<hbm>>
        %dma_start3A_329 = tpu.memref_slice %arg4[%mul3A_321] : memref<320000xi32, #tpu.memory_space<hbm>> -> memref<40xi32, #tpu.memory_space<hbm>>
        tpu.enqueue_dma source(%dma_start3A_329 : memref<40xi32, #tpu.memory_space<hbm>>) target(%arg11 : memref<40xi32, #tpu.memory_space<vmem>>) target_semaphore(%arg28 : memref<!tpu.dma_semaphore, #tpu.memory_space<semaphore_mem>>)
      } else {
      }
      %scan3A_314 = arith.constant 0 : i32
      scf.yield %scan3A_314 : i32
    }
    %scan3A_51 = arith.constant 125 : i32
    %dma_wait3A_52 = arith.constant 0 : i32
    %dma_wait3A_53 = arith.constant 0 : i32
    %dma_wait3A_54 = tpu.memref_slice %arg20[%dma_wait3A_52, %dma_wait3A_53] : memref<10112x128xf32, #tpu.memory_space<vmem_shared>> -> memref<10112x128xf32, #tpu.memory_space<vmem_shared>>
    tpu.wait_indirect_dma semaphore(%arg25 : memref<!tpu.dma_semaphore, #tpu.memory_space<semaphore_mem>>) src(%arg18 : memref<40x128xf32, #tpu.memory_space<vmem>>) dst(%dma_wait3A_54 : memref<10112x128xf32, #tpu.memory_space<vmem_shared>>)
    %dma_wait3A_55 = arith.constant 0 : i32
    %dma_wait3A_56 = arith.constant 0 : i32
    %dma_wait3A_57 = tpu.memref_slice %arg20[%dma_wait3A_55, %dma_wait3A_56] : memref<10112x128xf32, #tpu.memory_space<vmem_shared>> -> memref<10112x128xf32, #tpu.memory_space<vmem_shared>>
    tpu.wait_indirect_dma semaphore(%arg26 : memref<!tpu.dma_semaphore, #tpu.memory_space<semaphore_mem>>) src(%arg19 : memref<40x128xf32, #tpu.memory_space<vmem>>) dst(%dma_wait3A_57 : memref<10112x128xf32, #tpu.memory_space<vmem_shared>>)
    %barrier3A_58 = arith.constant 0 : index
    tpu.barrier barrier_id(%barrier3A_58)
    "tpu.region"() ({
      %run_scoped3A = tpu.sem_alloc : memref<!tpu.dma_semaphore, #tpu.memory_space<semaphore_mem>>
      %dma_start3A_59 = arith.constant 0 : i32
      %dma_start3A_60 = tpu.memref_slice %arg7[%arg0, %mul3A_2, %dma_start3A_59] : memref<2x10112x128xf32, #tpu.memory_space<hbm>> -> memref<1x632x128xf32, #tpu.memory_space<hbm>>
      %dma_start3A_61 = tpu.memref_squeeze %dma_start3A_60 : memref<1x632x128xf32, #tpu.memory_space<hbm>> -> memref<632x128xf32, #tpu.memory_space<hbm>>
      %dma_start3A_62 = arith.constant 0 : i32
      %dma_start3A_63 = tpu.memref_slice %arg20[%mul3A_2, %dma_start3A_62] : memref<10112x128xf32, #tpu.memory_space<vmem_shared>> -> memref<632x128xf32, #tpu.memory_space<vmem_shared>>
      tpu.enqueue_dma source(%dma_start3A_63 : memref<632x128xf32, #tpu.memory_space<vmem_shared>>) target(%dma_start3A_61 : memref<632x128xf32, #tpu.memory_space<hbm>>) target_semaphore(%run_scoped3A : memref<!tpu.dma_semaphore, #tpu.memory_space<semaphore_mem>>)
      %dma_wait3A_64 = arith.constant 0 : i32
      %dma_wait3A_65 = tpu.memref_slice %arg7[%arg0, %mul3A_2, %dma_wait3A_64] : memref<2x10112x128xf32, #tpu.memory_space<hbm>> -> memref<1x632x128xf32, #tpu.memory_space<hbm>>
      %dma_wait3A_66 = tpu.memref_squeeze %dma_wait3A_65 : memref<1x632x128xf32, #tpu.memory_space<hbm>> -> memref<632x128xf32, #tpu.memory_space<hbm>>
      %dma_wait3A_67 = arith.constant 0 : i32
      %dma_wait3A_68 = tpu.memref_slice %arg20[%mul3A_2, %dma_wait3A_67] : memref<10112x128xf32, #tpu.memory_space<vmem_shared>> -> memref<632x128xf32, #tpu.memory_space<vmem_shared>>
      tpu.wait_dma2 semaphore(%run_scoped3A : memref<!tpu.dma_semaphore, #tpu.memory_space<semaphore_mem>>) src(%dma_wait3A_68 : memref<632x128xf32, #tpu.memory_space<vmem_shared>>) dst(%dma_wait3A_66 : memref<632x128xf32, #tpu.memory_space<hbm>>)
      tpu.yield
    }) : () -> ()
    return
  }
}

module attributes {stable_mosaic.version = 14 : i64} {
  func.func @_mlp_body(%arg0: i32, %arg1: memref<1000x128xf32, #tpu.memory_space<vmem>>, %arg2: memref<2x1000x128xf32, #tpu.memory_space<vmem>>, %arg3: memref<128x128xf32, #tpu.memory_space<vmem>>, %arg4: memref<1x128xf32, #tpu.memory_space<vmem>>, %arg5: memref<128x128xf32, #tpu.memory_space<vmem>>, %arg6: memref<1x128xf32, #tpu.memory_space<vmem>>, %arg7: memref<1000x128xf32, #tpu.memory_space<vmem>>) attributes {dimension_semantics = [#tpu.dimension_semantics<arbitrary>], iteration_bounds = array<i64: 10>, scalar_prefetch = 0 : i64, scratch_operands = 0 : i64, tpu.core_type = #tpu.core_type<tc>, window_params = [{transform_indices = @transform_0, window_bounds = array<i64: 1000, 128>}, {transform_indices = @transform_1, window_bounds = array<i64: 2, 1000, 128>}, {pipeline_mode = #tpu.pipeline_mode<synchronous>, transform_indices = @transform_2, window_bounds = array<i64: 128, 128>}, {pipeline_mode = #tpu.pipeline_mode<synchronous>, transform_indices = @transform_3, window_bounds = array<i64: 1, 128>}, {pipeline_mode = #tpu.pipeline_mode<synchronous>, transform_indices = @transform_4, window_bounds = array<i64: 128, 128>}, {pipeline_mode = #tpu.pipeline_mode<synchronous>, transform_indices = @transform_5, window_bounds = array<i64: 1, 128>}, {transform_indices = @transform_6, window_bounds = array<i64: 1000, 128>}]} {
    %get3A = arith.constant 0 : index
    %get3A_0 = arith.constant 0 : index
    %get3A_1 = vector.load %arg1[%get3A, %get3A_0] : memref<1000x128xf32, #tpu.memory_space<vmem>>, vector<1000x128xf32>
    %get3A_2 = arith.constant 0 : index
    %get3A_3 = arith.constant 0 : index
    %get3A_4 = arith.constant 0 : index
    %get3A_5 = vector.load %arg2[%get3A_2, %get3A_3, %get3A_4] : memref<2x1000x128xf32, #tpu.memory_space<vmem>>, vector<1x1000x128xf32>
    %get3A_6 = vector.shape_cast %get3A_5 : vector<1x1000x128xf32> to vector<1000x128xf32>
    %add3A = arith.addf %get3A_1, %get3A_6 : vector<1000x128xf32>
    %get3A_7 = arith.constant 1 : index
    %get3A_8 = arith.constant 0 : index
    %get3A_9 = arith.constant 0 : index
    %get3A_10 = vector.load %arg2[%get3A_7, %get3A_8, %get3A_9] : memref<2x1000x128xf32, #tpu.memory_space<vmem>>, vector<1x1000x128xf32>
    %get3A_11 = vector.shape_cast %get3A_10 : vector<1x1000x128xf32> to vector<1000x128xf32>
    %add3A_12 = arith.addf %add3A, %get3A_11 : vector<1000x128xf32>
    %get3A_13 = arith.constant 0 : index
    %get3A_14 = arith.constant 0 : index
    %get3A_15 = vector.load %arg3[%get3A_13, %get3A_14] : memref<128x128xf32, #tpu.memory_space<vmem>>, vector<128x128xf32>
    %dot_general3A = arith.constant dense<0.000000e+00> : vector<1000x128xf32>
    %dot_general3A_16 = tpu.matmul %add3A_12, %get3A_15, %dot_general3A {dimension_numbers = #tpu.dot_dimension_numbers<[1], [0], [0], [1], [0, 0, 1, 1], [], []>, precision = #tpu.contract_precision<fp32>, transpose_lhs_hint = false} : vector<1000x128xf32>, vector<128x128xf32>, vector<1000x128xf32> -> vector<1000x128xf32>
    %get3A_17 = arith.constant 0 : index
    %get3A_18 = arith.constant 0 : index
    %get3A_19 = vector.load %arg4[%get3A_17, %get3A_18] : memref<1x128xf32, #tpu.memory_space<vmem>>, vector<1x128xf32>
    %add3A_20 = vector.broadcast %get3A_19 : vector<1x128xf32> to vector<1000x128xf32>
    %add3A_21 = arith.addf %dot_general3A_16, %add3A_20 : vector<1000x128xf32>
    %max3A = arith.constant 0.000000e+00 : f32
    %max3A_22 = vector.broadcast %max3A : f32 to vector<1000x128xf32>
    %max3A_23 = arith.maximumf %add3A_21, %max3A_22 : vector<1000x128xf32>
    %get3A_24 = arith.constant 0 : index
    %get3A_25 = arith.constant 0 : index
    %get3A_26 = vector.load %arg5[%get3A_24, %get3A_25] : memref<128x128xf32, #tpu.memory_space<vmem>>, vector<128x128xf32>
    %dot_general3A_27 = arith.constant dense<0.000000e+00> : vector<1000x128xf32>
    %dot_general3A_28 = tpu.matmul %max3A_23, %get3A_26, %dot_general3A_27 {dimension_numbers = #tpu.dot_dimension_numbers<[1], [0], [0], [1], [0, 0, 1, 1], [], []>, precision = #tpu.contract_precision<fp32>, transpose_lhs_hint = false} : vector<1000x128xf32>, vector<128x128xf32>, vector<1000x128xf32> -> vector<1000x128xf32>
    %get3A_29 = arith.constant 0 : index
    %get3A_30 = arith.constant 0 : index
    %get3A_31 = vector.load %arg6[%get3A_29, %get3A_30] : memref<1x128xf32, #tpu.memory_space<vmem>>, vector<1x128xf32>
    %add3A_32 = vector.broadcast %get3A_31 : vector<1x128xf32> to vector<1000x128xf32>
    %add3A_33 = arith.addf %dot_general3A_28, %add3A_32 : vector<1000x128xf32>
    %swap3A = arith.constant 0 : index
    %swap3A_34 = arith.constant 0 : index
    %swap3A_35 = vector.load %arg7[%swap3A, %swap3A_34] : memref<1000x128xf32, #tpu.memory_space<vmem>>, vector<1000x128xf32>
    tpu.vector_store %arg7[%swap3A, %swap3A_34], %add3A_33 {strides = array<i32>} : memref<1000x128xf32, #tpu.memory_space<vmem>>, vector<1000x128xf32>,
    return
  }
  func.func @transform_0(%arg0: i32) -> (i32, i32) {
    %c0_i32 = arith.constant 0 : i32
    %c0_i32_0 = arith.constant 0 : i32
    return %arg0, %c0_i32 : i32, i32
  }
  func.func @transform_1(%arg0: i32) -> (i32, i32, i32) {
    %c0_i32 = arith.constant 0 : i32
    %c0_i32_0 = arith.constant 0 : i32
    %c0_i32_1 = arith.constant 0 : i32
    return %c0_i32, %arg0, %c0_i32_0 : i32, i32, i32
  }
  func.func @transform_2(%arg0: i32) -> (i32, i32) {
    %c0_i32 = arith.constant 0 : i32
    %c0_i32_0 = arith.constant 0 : i32
    %c0_i32_1 = arith.constant 0 : i32
    return %c0_i32, %c0_i32_0 : i32, i32
  }
  func.func @transform_3(%arg0: i32) -> (i32, i32) {
    %c0_i32 = arith.constant 0 : i32
    %c0_i32_0 = arith.constant 0 : i32
    %c0_i32_1 = arith.constant 0 : i32
    return %c0_i32, %c0_i32_0 : i32, i32
  }
  func.func @transform_4(%arg0: i32) -> (i32, i32) {
    %c0_i32 = arith.constant 0 : i32
    %c0_i32_0 = arith.constant 0 : i32
    %c0_i32_1 = arith.constant 0 : i32
    return %c0_i32, %c0_i32_0 : i32, i32
  }
  func.func @transform_5(%arg0: i32) -> (i32, i32) {
    %c0_i32 = arith.constant 0 : i32
    %c0_i32_0 = arith.constant 0 : i32
    %c0_i32_1 = arith.constant 0 : i32
    return %c0_i32, %c0_i32_0 : i32, i32
  }
  func.func @transform_6(%arg0: i32) -> (i32, i32) {
    %c0_i32 = arith.constant 0 : i32
    %c0_i32_0 = arith.constant 0 : i32
    return %arg0, %c0_i32 : i32, i32
  }
}

</mosaic_0001>

<sc_bundles>
// kernel: kernel.4.cloned.1.call-start
scs
__scs_entry_jumppad:
0x0: {  	(pc) =	sbr.rel $0x88, $3  }
0x1: {  	(tag) =	ssettag $0x0;
	lr =	simm.s32 $0x1  }
0x2: {  	[smem:$0x3F9A] =	sst lr;
	_ =	strace $0xD0000000  }
0x3: {  	_ = 	snop  }
0x4: {  	_ = 	snop  }
0x5: {  	_ = 	snop  }
0x6: {  	_ = 	snop  }
0x7: {  	_ = 	snop  }
__scs_overlays_trampoline_lowered:
0x8: {  	[smem:$0x3FA9] =	sst s0  }
0x9: {  	[smem:$0x3FAA] =	sst s1  }
0xa: {  	[smem:$0x3FAB] =	sst s2  }
0xb: {  	[smem:$0x3FAC] =	sst s3  }
0xc: {  	[smem:$0x3FAD] =	sst s4  }
0xd: {  	[smem:$0x3FAE] =	sst s5  }
0xe: {  	[smem:$0x3FAF] =	sst s6  }
0xf: {  	[smem:$0x3FB0] =	sst s7  }
0x10: {  	[smem:$0x3FB1] =	sst s8  }
0x11: {  	[smem:$0x3FB2] =	sst s9;
	s0 =	simm.s32 @!p0 $0x0  }
0x12: {  	s1 =	sld [smem:$0x3F98];
	s0 =	simm.s32 @p0 $0x1  }
0x13: {  	[smem:$0x3FB3] =	sst s0;
	s0 =	simm.s32 @!p1 $0x0  }
0x14: {  	s2 =	sld [smem:$0x3F97];
	s0 =	simm.s32 @p1 $0x1  }
0x15: {  	[smem:$0x3FB4] =	sst s0;
	s0 =	simm.s32 @!p2 $0x0  }
0x16: {  	s3 =	sld [smem:$0x3FDB];
	s0 =	simm.s32 @p2 $0x1  }
0x17: {  	s4 =	simm.s32 $0x1BF5;
	[smem:$0x3FB6] =	sst s0  }
0x18: {  	s0 =	sld [smem:$0x3F99];
	_ =	swait.ge [sflag:s4], $0x0  }
0x19: {  	s7 =	sld [smem:$0x3F9A]  }
0x1a: {  	s8 =	sadd.s32 $0xFFFFE003, lr  }
0x1b: {  	s9 =	sadd.s32 $0xFFFFFEF7, lr;
	s5 =	simm.s32 $0xFFFFFFFF;
	p2 =	slt.u32 s8, $0xFFFFF086  }
0x1c: {  	p1 =	slt.u32 s9, $0xF7A;
	s5 =	simm.s32 @!p2 $0x0  }
0x1d: {  	s5 =	simm.s32 @p1 $0x1;
	p0 =	seq.s32 s7, s2  }
0x1e: {  	s7 =	smul.u32 @!p0 $0xF7A, s2;
	p2 =	seq.s32 @!p0 s5, $0x0  }
0x1f: {  	s9 =	smul.u32 $0xF7A, s1;
	s8 =	simm.s32 @!p0 $0x1BF5;
	p2 =	por !p2, p0  }
0x20: {  	[sflag:s8] =	ssyncset.s32 @!p0 $0xFFFFF086;
	s6 =	sadd.s32 @!p0 s3, s7;
	s7 =	simm.s32 @!p0 $0x108  }
0x21: {  	s3 =	sadd.s32 s3, s9;
	s6 =	sadd.s32 @!p0 $0x88, s6;
	s7 =	simm.s32 @p2 $0x1082  }
0x22: {  	[simem:s7], [sflag:s8] =	dma.local @!p0 [hbm:s6], $0xF7A  }
0x23: {  	s9 =	sor.u32 $0xD0000000, s2;
	s6 =	simm.s32 $0x108;
	_ =	swait.ge @!p0 [sflag:s8], $0x0  }
0x24: {  	s3 =	sadd.s32 $0x88, s3;
	s6 =	simm.s32 @!p1 $0x1082;
	[sflag:s4] =	ssyncset.s32 $0xFFFFF086  }
0x25: {  	[simem:s6], [sflag:s4] =	dma.local [hbm:s3], $0xF7A  }
0x26: {  	[smem:$0x3F9A] =	sst s1;
	(tag) =	ssettag s2;
	_ =	strace s9  }
0x27: {  	s1 =	sld [smem:$0x3FAA]  }
0x28: {  	s2 =	sld [smem:$0x3FAB]  }
0x29: {  	s4 =	sld [smem:$0x3FAD]  }
0x2a: {  	p0 =	seq.s32 s5, $0x0;
	s5 =	sld [smem:$0x3FAE]  }
0x2b: {  	s6 =	sld [smem:$0x3FAF]  }
0x2c: {  	s7 =	sld [smem:$0x3FB0]  }
0x2d: {  	s3 =	simm.s32 $0x108;
	s8 =	sld [smem:$0x3FB1]  }
0x2e: {  	s3 =	simm.s32 @!p0 $0x1082;
	s9 =	sld [smem:$0x3FB2]  }
0x2f: {  	lr =	sadd.s32 s0, s3;
	s0 =	sld [smem:$0x3FA9]  }
0x30: {  	s3 =	sld [smem:$0x3FAC]  }
0x31: {  	[smem:$0x3FB5] =	sst s10  }
0x32: {  	s10 =	sld [smem:$0x3FB3];
	_ =	sdelay $0x3  }
0x33: {  	p0 =	seq.s32 s10, $0x1;
	s10 =	sld [smem:$0x3FB5];
	_ =	sdelay $0x3  }
0x34: {  	[smem:$0x3FB5] =	sst s10  }
0x35: {  	s10 =	sld [smem:$0x3FB4];
	_ =	sdelay $0x3  }
0x36: {  	p1 =	seq.s32 s10, $0x1;
	s10 =	sld [smem:$0x3FB5];
	_ =	sdelay $0x3  }
0x37: {  	[smem:$0x3FB5] =	sst s10  }
0x38: {  	s10 =	sld [smem:$0x3FB6]  }
0x39: {  	_ = 	snop;
	(pc) =	sbr.ind lr, $3  }
0x3a: {  	_ = 	snop  }
0x3b: {  	_ = 	snop  }
0x3c: {  	p2 =	seq.s32 s10, $0x1;
	s10 =	sld [smem:$0x3FB5]  }
0x3d: {  	_ =	shalt  }
0x3e: {  	_ =	shalt  }
0x3f: {  	_ =	shalt  }
0x40: {  	_ =	shalt  }
0x41: {  	_ =	shalt  }
0x42: {  	_ =	shalt  }
0x43: {  	_ =	shalt  }
0x44: {  	_ =	shalt  }
0x45: {  	_ =	shalt  }
0x46: {  	_ =	shalt  }
0x47: {  	_ =	shalt  }
0x48: {  	_ =	shalt  }
0x49: {  	_ =	shalt  }
0x4a: {  	_ =	shalt  }
0x4b: {  	_ =	shalt  }
0x4c: {  	_ =	shalt  }
0x4d: {  	_ =	shalt  }
0x4e: {  	_ =	shalt  }
0x4f: {  	_ =	shalt  }
0x50: {  	_ =	shalt  }
0x51: {  	_ =	shalt  }
0x52: {  	_ =	shalt  }
0x53: {  	_ =	shalt  }
0x54: {  	_ =	shalt  }
0x55: {  	_ =	shalt  }
0x56: {  	_ =	shalt  }
0x57: {  	_ =	shalt  }
0x58: {  	_ =	shalt  }
0x59: {  	_ =	shalt  }
0x5a: {  	_ =	shalt  }
0x5b: {  	_ =	shalt  }
0x5c: {  	_ =	shalt  }
0x5d: {  	_ =	shalt  }
0x5e: {  	_ =	shalt  }
0x5f: {  	_ =	shalt  }
0x60: {  	_ =	shalt  }
0x61: {  	_ =	shalt  }
0x62: {  	_ =	shalt  }
0x63: {  	_ =	shalt  }
0x64: {  	_ =	shalt  }
0x65: {  	_ =	shalt  }
0x66: {  	_ =	shalt  }
0x67: {  	_ =	shalt  }
0x68: {  	_ =	shalt  }
0x69: {  	_ =	shalt  }
0x6a: {  	_ =	shalt  }
0x6b: {  	_ =	shalt  }
0x6c: {  	_ =	shalt  }
0x6d: {  	_ =	shalt  }
0x6e: {  	_ =	shalt  }
0x6f: {  	_ =	shalt  }
0x70: {  	_ =	shalt  }
0x71: {  	_ =	shalt  }
0x72: {  	_ =	shalt  }
0x73: {  	_ =	shalt  }
0x74: {  	_ =	shalt  }
0x75: {  	_ =	shalt  }
0x76: {  	_ =	shalt  }
0x77: {  	_ =	shalt  }
0x78: {  	_ =	shalt  }
0x79: {  	_ =	shalt  }
0x7a: {  	_ =	shalt  }
0x7b: {  	_ =	shalt  }
0x7c: {  	_ =	shalt  }
0x7d: {  	_ =	shalt  }
0x7e: {  	_ =	shalt  }
0x7f: {  	_ =	shalt  }
0x80: {  	_ =	shalt  }
0x81: {  	_ =	shalt  }
0x82: {  	_ =	shalt  }
0x83: {  	_ =	shalt  }
0x84: {  	_ =	shalt  }
0x85: {  	_ =	shalt  }
0x86: {  	_ =	shalt  }
0x87: {  	_ =	shalt  }
.Lfunc_end0:
.L_simem_size_0:
called_computation_lowered:
.L_overlay_start_0:
0x88: {  	s2 =	sld [smem:$0x3FD9]  }
0x89: {  	s3 =	sld [smem:$0x3FFE];
	_ =	sdelay $0x1  }
0x8a: {  	s1 =	srdreg.scid  }
0x8b: {  	s0 =	sand.u32 $0x1, s1  }
0x8c: {  	s17 =	sshll.u32 s0, $0xA;
	s2 =	sadd.s32 s3, s2  }
0x8d: {  	s2 =	sadd.s32 s2, s17  }
0x8e: {  	[smem:$0x3FC1] =	sst s2  }
0x8f: {  	_ = 	snop  }
0x90: {  	s2 =	sld [smem:$0x3FC9]  }
0x91: {  	s18 =	sld [smem:$0x3FC7]  }
0x92: {  	s4 =	sld [smem:$0x3FD0];
	(tm) =	ssettm $0x1  }
0x93: {  	s5 =	sld [smem:$0x3FFB];
	_ =	sdelay $0x3  }
0x94: {  	_ =	strace s5  }
0x95: {  	s5 =	sld [smem:$0x3FFC];
	_ =	sdelay $0x3  }
0x96: {  	_ =	strace s5  }
0x97: {  	s5 =	sld [smem:$0x3FFD];
	_ =	sdelay $0x3  }
0x98: {  	_ =	strace s5  }
0x99: {  	_ =	strace $0x8FFFFFFF  }
0x9a: {  	s19 =	sld [smem:$0x3FDB];
	_ =	sdelay $0x1  }
0x9b: {  	s6 =	simm.s32 $_scs_section_size  }
0x9c: {  	s7 =	simm.s32 $_size__tile_overlayer_lowered;
	s8 =	simm.s32 $_tile_overlayer_lowered  }
0x9d: {  	s22 =	simm.s32 $0x1BFF;
	s21 =	sshll.u32 s8, $0x1;
	s5 =	sadd.s32 s6, s19  }
0x9e: {  	s9 =	simm.s32 $0x0;
	s20 =	sshll.u32 s7, $0x1;
	s7 =	sadd.s32 s21, s5  }
0x9f: {  	[timem:s9], [sflag:s22] =	dma.local [hbm:s7], s20  }
0xa0: {  	_ =	swait.ge [sflag:s22], s20  }
0xa1: {  	s6 =	ssub.s32 $0x0, s20;
	[sflag:s22] =	ssyncset.done $0x0  }
0xa2: {  	[sflag:s22] =	ssyncadd.s32 s6;
	_ =	sdelay $0x1  }
0xa3: {  	s23 =	simm.s32 $0x1B8B  }
0xa4: {  	_ =	swait.ge [sflag:s23], $0x1  }
0xa5: {  	[sflag:s23] =	ssyncset.done $0x0  }
0xa6: {  	s25 =	simm.s32 $0x1B8E;
	s24 =	sld [smem:$0x3FFE];
	[sflag:s23] =	ssyncadd.s32 $0xFFFFFFFF  }
0xa7: {  	s26 =	simm.s32 $execute0_lowered;
	[smem:$0x3FD2] =	sst s25  }
0xa8: {  	s7 =	sshll.u32 s26, $0x1;
	_ =	strace $0x80000046;
	[dreg:$0x1] =	wrdreg $0xFFFFFFFF  }
0xa9: {  	s28 =	simm.s32 $_size_execute0_lowered;
	s5 =	sadd.s32 s5, s7;
	[dreg:$0x0] =	wrdreg $0x0  }
0xaa: {  	s7 =	sshll.u32 s28, $0x1;
	[dreg:$0x2] =	wrdreg s5  }
0xab: {  	[dreg:$0x3] =	wrdreg s7  }
0xac: {  	[dreg:$0x4] =	wrdreg $0xC0  }
0xad: {  	_ =	task [dreg:s9], $0x5FFFF  }
0xae: {  	[dreg:$0x1] =	wrdreg $0xFFFFFFFF  }
0xaf: {  	[dreg:$0x0] =	wrdreg $0x60  }
0xb0: {  	[dreg:$0x2] =	wrdreg s2  }
0xb1: {  	[dreg:$0x3] =	wrdreg s24  }
0xb2: {  	[dreg:$0x4] =	wrdreg s4  }
0xb3: {  	[dreg:$0x5] =	wrdreg s18  }
0xb4: {  	[dreg:$0x6] =	wrdreg $0x7B000  }
0xb5: {  	[dreg:$0x7] =	wrdreg $0x9  }
0xb6: {  	_ =	task.clear_ibuf [dreg:s9], $0x8FFFF;
	_ =	strace $0x90000046  }
0xb7: {  	s29 =	simm.s32 $0x9;
	_ =	strace $0x80000048  }
0xb8: {  	_ =	swait.ge [sflag:s29], $0x1  }
0xb9: {  	[sflag:s29] =	ssyncadd.s32 $0xFFFFFFFF  }
0xba: {  	_ =	strace $0x90000048  }
0xbb: {  	_ =	sfence  }
0xbc: {  	s30 =	sld [smem:$0x0];
	_ =	sdelay $0x2  }
0xbd: {  	s31 =	sshll.u32 s1, $0xD;
	s1 =	sshrl.u32 s1, $0x2  }
0xbe: {  	s3 =	sand.u32 $0x4000, s31;
	s1 =	sadd.s32 s1, s30  }
0xbf: {  	s0 =	sor.u32 s3, s0;
	s1 =	sshll.u32 s1, $0x11  }
0xc0: {  	s0 =	sor.u32 s1, s0  }
0xc1: {  	s0 =	sadd.s32 $0x8F2B, s0  }
0xc2: {  	[sflag:s0] =	ssyncadd.remote.s32 $0x1  }
0xc3: {  	_ =	sfence.sel $0xFFFF  }
0xc4: {  	[dreg:$0x0] =	wrdreg $0xFFFFFFFF;
	(pc) =	sbr.abs _section_cstart, $3  }
0xc5: {  	[dreg:$0x1] =	wrdreg $0xFFFFFFFF  }
0xc6: {  	_ =	task.clear_ibuf [dreg:s9], $0x2FFFF;
	_ =	strace $0x9FFFFFFF  }
0xc7: {  	(tm) =	ssettm $0x7FFFFFFF  }
tec
execute0_lowered:
.L_overlay_start_1:
0x0: {  	(tag) =	ssettag $0x1  }
0x1: {  	s1 =	rddreg [dreg:$0x0]  }
0x2: {  	s0 =	rddreg [dreg:$0x1]  }
0x3: {  	s2 =	rddreg [dreg:$0x2]  }
0x4: {  	s3 =	rddreg [dreg:$0x3]  }
0x5: {  	s4 =	rddreg [dreg:$0x4];
	s5 =	srdreg.scid  }
0x6: {  	s6 =	simm.s32 $0x0;
	s13 =	stileid.u32;
	s29 =	simm.s32 $0x28  }
0x7: {  	s31 =	simm.s32 $0x3;
	s30 =	simm.s32 $0x0;
	s9 =	smul.u32 $0x13C00, s13  }
0x8: {  	s5 =	sand.u32 $0x1, s5;
	s15 =	sshll.u32 s13, $0x1;
	s17 =	smul.u32 $0x4F000, s13  }
0x9: {  	s8 =	smul.u32 $0x13C000, s5;
	s16 =	ssub.s32 $0x2, s5;
	s5 =	sor.u32 s5, s15  }
0xa: {  	[smem:$0x7FF] =	sst s6;
	s7 =	sadd.s32 $0x800, s0;
	s12 =	smul.u32 $0x4E2, s5  }
0xb: {  	s10 =	sadd.s32 $0xA600, s0;
	s20 =	sshll.u32 s13, $0x6;
	s19 =	smul.u32 $0x27100, s5  }
0xc: {  	_ =	strace $0x80000047;
	[dreg:$0x6] =	wrdreg s10;
	s21 =	smul.u32 $0x2710, s5  }
0xd: {  	s11 =	sshrl.u32 s16, $0x1;
	s13 =	smul.u32 $0xFA, s5;
	s8 =	sadd.s32 s9, s8  }
0xe: {  	s18 =	ssub.s32 s16, s11;
	s9 =	sshrl.u32 s17, $0x2;
	s8 =	sshrl.u32 s8, $0x3  }
0xf: {  	s14 =	sadd.s32 s9, s4;
	s9 =	sor.u32 $0x1C0B, s20;
	s22 =	sadd.s32 s7, s12  }
0x10: {  	s10 =	sadd.s32 s3, s19;
	s23 =	sadd.s32 s2, s12;
	s24 =	sadd.s32 $0x28, s21  }
0x11: {  	s28 =	smax.u32 s18, $0x1;
	s20 =	simm.s32 $0xB;
	[dreg:$0x7] =	wrdreg s22  }
0x12: {  	s21 =	simm.s32 $0x1700;
	s0 =	sadd.s32 s8, s0;
	[dreg:$0x8] =	wrdreg s10  }
0x13: {  	[dreg:$0x9] =	wrdreg s23;
	s25 =	sshrl.u32 s24, $0x3;
	s10 =	sshll.u32 s24, $0x4  }
0x14: {  	[dreg:$0xe] =	wrdreg s28;
	s19 =	sshrl.u32 s14, $0x3;
	s26 =	sadd.s32 s7, s25  }
.Ltmp0:
0x15: {  	s10 =	sadd.s32 s3, s10;
	[dreg:$0xa] =	wrdreg s26;
	(pc) =	sbr.rel .LBB2_1-.Ltmp0, $4  }
0x16: {  	s23 =	simm.s32 $0x80;
	s5 =	sadd.s32 s2, s25;
	[dreg:$0xb] =	wrdreg s10  }
0x17: {  	s22 =	simm.s32 $0x5;
	s0 =	sadd.s32 $0xCE00, s0;
	[dreg:$0xc] =	wrdreg s5  }
0x18: {  	s24 =	simm.s32 $0x4;
	s25 =	simm.s32 $0x6;
	[dreg:$0xd] =	wrdreg s0  }
0x19: {  	s26 =	simm.s32 $0x1;
	s0 =	simm.s32 $0x2;
	s5 =	simm.s32 $0x8  }
.LBB2_12:
0x1a: {  	_ =	swait.ge [sflag:s22], $0x1400  }
0x1b: {  	[sflag:s22] =	ssyncset.done $0x0  }
0x1c: {  	[sflag:s22] =	ssyncadd.s32 $0xFFFFEC00  }
0x1d: {  	_ =	swait.ge [sflag:s25], $0x1400  }
0x1e: {  	[sflag:s25] =	ssyncset.done $0x0  }
0x1f: {  	[sflag:s25] =	ssyncadd.s32 $0xFFFFEC00  }
0x20: {  	[bflag:$0x0] =	sbarrier.arrive $0xFFFF  }
0x21: {  	s8 =	rddreg [dreg:$0xd]  }
0x22: {  	[hbm:s8], [sflag:s9] =	dma.local [spmem:s19], $0x2780  }
0x23: {  	_ =	swait.ge [sflag:s20], $0x2780  }
0x24: {  	s30 =	sadd.s32 $0x1, s30;
	s28 =	rddreg [dreg:$0xe]  }
0x25: {  	p0 =	sne.s32 s30, s28  }
.Ltmp1:
0x26: {  	_ = 	snop;
	(pc) =	sbr.rel @!p0 .LBB2_13-.Ltmp1, $3  }
0x27: {  	_ =	sdelay $0x1  }
0x28: {  	[sflag:s20] =	ssyncset.done $0x0  }
0x29: {  	[sflag:s20] =	ssyncadd.s32 $0xFFFFD880  }
.LBB2_1:
0x2a: {  	s8 =	rddreg [dreg:$0x6]  }
0x2b: {  	[spmem:s19], [sflag:s9] =	dma.local [hbm:s8], $0x2780  }
0x2c: {  	_ =	swait.ge [sflag:s20], $0x2780  }
0x2d: {  	[sflag:s20] =	ssyncset.done $0x0  }
0x2e: {  	[sflag:s20] =	ssyncadd.s32 $0xFFFFD880  }
0x2f: {  	[bflag:$0x0] =	sbarrier.arrive $0xFFFF  }
0x30: {  	s18 =	rddreg [dreg:$0x7]  }
0x31: {  	[tilespmem:s6], [sflag:$0x1] =	stream.linear.gather [hbm4b:s18+s6], $0x28, $0x38;
	[tilespmem:$0x1B700] =	vst v63  }
0x32: {  	s10 =	simm.s32 $0x2B00;
	s28 =	rddreg [dreg:$0x8]  }
0x33: {  	[tilespmem:s10], [sflag:$0x1] =	stream.linear.gather [hbm4b:s28+s6], $0x1400, $0x38;
	[tilespmem:$0x1B700] =	vst v63  }
0x34: {  	s11 =	simm.s32 $0x100;
	s10 =	rddreg [dreg:$0x9]  }
0x35: {  	[tilespmem:s11], [sflag:$0x7] =	stream.linear.gather [hbm4b:s10+s6], $0x28, $0x38;
	[tilespmem:$0x1B700] =	vst v63  }
0x36: {  	s12 =	rddreg [dreg:$0xa]  }
0x37: {  	[tilespmem:s23], [sflag:$0x2] =	stream.linear.gather [hbm4b:s12+s6], $0x28, $0x38;
	[tilespmem:$0x1B700] =	vst v63  }
0x38: {  	s15 =	simm.s32 $0x3F00;
	s14 =	rddreg [dreg:$0xb]  }
0x39: {  	[tilespmem:s15], [sflag:$0x2] =	stream.linear.gather [hbm4b:s14+s6], $0x1400, $0x38;
	[tilespmem:$0x1B700] =	vst v63  }
0x3a: {  	s17 =	simm.s32 $0x180;
	s16 =	rddreg [dreg:$0xc]  }
0x3b: {  	[tilespmem:s17], [sflag:$0x8] =	stream.linear.gather [hbm4b:s16+s6], $0x28, $0x38;
	[tilespmem:$0x1B700] =	vst v63  }
0x3c: {  	_ =	swait.ge [sflag:s26], $0x28  }
0x3d: {  	[sflag:s26] =	ssyncset.done $0x0  }
0x3e: {  	[sflag:s26] =	ssyncadd.s32 $0xFFFFFFD8  }
0x3f: {  	_ =	swait.ge [sflag:s26], $0x1400  }
0x40: {  	[sflag:s26] =	ssyncset.done $0x0  }
0x41: {  	s18 =	simm.s32 $0x7;
	[sflag:s26] =	ssyncadd.s32 $0xFFFFEC00  }
0x42: {  	_ =	swait.ge [sflag:s18], $0x28  }
0x43: {  	[sflag:s18] =	ssyncset.done $0x0  }
0x44: {  	s8 =	simm.s32 $0x0;
	s28 =	simm.s32 $0x300;
	[sflag:s18] =	ssyncadd.s32 $0xFFFFFFD8  }
0x45: {  	[tilespmem:s28], [sflag:$0x3] =	stream.indirect.gather [hbm4b:s1+s29], $0x80, s6, s29, $0xb8;
	[tilespmem:$0x1B700] =	vst v63  }
.LBB2_2:
0x46: {  	s10 =	sand.u32 $0x1, s8  }
0x47: {  	p0 =	seq.s32 s10, $0x1  }
.Ltmp2:
0x48: {  	_ = 	snop;
	(pc) =	sbr.rel @p0 .LBB2_6-.Ltmp2, $4  }
0x49: {  	_ = 	snop  }
0x4a: {  	_ =	swait.ge [sflag:s31], $0x1400  }
0x4b: {  	[sflag:s31] =	ssyncset.done $0x0  }
0x4c: {  	[sflag:s31] =	ssyncadd.s32 $0xFFFFEC00  }
0x4d: {  	_ =	swait.ge [sflag:s0], $0x28  }
0x4e: {  	[sflag:s0] =	ssyncset.done $0x0  }
0x4f: {  	[sflag:s0] =	ssyncadd.s32 $0xFFFFFFD8  }
0x50: {  	_ =	swait.ge [sflag:s0], $0x1400  }
0x51: {  	p0 =	seq.s32 s8, $0x0;
	[sflag:s0] =	ssyncset.done $0x0  }
.Ltmp3:
0x52: {  	[sflag:s0] =	ssyncadd.s32 $0xFFFFEC00;
	(pc) =	sbr.rel @p0 .LBB2_4-.Ltmp3, $4  }
0x53: {  	_ =	swait.ge [sflag:s5], $0x28  }
0x54: {  	[sflag:s5] =	ssyncset.done $0x0  }
0x55: {  	[sflag:s5] =	ssyncadd.s32 $0xFFFFFFD8  }
0x56: {  	[tilespmem:s21], [sflag:$0x4] =	stream.indirect.gather [hbm4b:s1+s29], $0x80, s23, s29, $0xb8;
	[tilespmem:$0x1B700] =	vst v63  }
0x57: {  	_ =	swait.ge [sflag:s22], $0x1400  }
0x58: {  	[sflag:s22] =	ssyncset.done $0x0  }
0x59: {  	[sflag:s22] =	ssyncadd.s32 $0xFFFFEC00  }
.LBB2_6:
0x5a: {  	p2 =	seq.s32 s10, $0x0  }
0x5b: {  	s11 =	simm.s32 @!p2 $0x2  }
0x5c: {  	_ =	swait.ge @!p2 [sflag:s11], $0x28  }
0x5d: {  	[sflag:s11] =	ssyncset.done @!p2 $0x0  }
0x5e: {  	[sflag:s11] =	ssyncadd.s32 @!p2 $0xFFFFFFD8  }
0x5f: {  	_ =	swait.ge @!p2 [sflag:s11], $0x1400  }
0x60: {  	[sflag:s11] =	ssyncset.done @!p2 $0x0  }
0x61: {  	[sflag:s11] =	ssyncadd.s32 @!p2 $0xFFFFEC00;
	s11 =	simm.s32 @!p2 $0xA  }
0x62: {  	_ =	swait.ge @!p2 [sflag:s11], $0x28  }
0x63: {  	s12 =	simm.s32 @!p2 $0x80;
	[sflag:s11] =	ssyncset.done @!p2 $0x0  }
0x64: {  	s14 =	simm.s32 @!p2 $0x1700;
	[sflag:s11] =	ssyncadd.s32 @!p2 $0xFFFFFFD8;
	s11 =	simm.s32 @!p2 $0x28  }
0x65: {  	[tilespmem:s14], [sflag:$0x4] =	stream.indirect.gather @!p2 [hbm4b:s1+s11], $0x80, s12, s11, $0xb8;
	[tilespmem:$0x1B700] =	vst v63  }
0x66: {  	s11 =	simm.s32 @!p2 $0x5  }
0x67: {  	_ =	swait.ge @!p2 [sflag:s11], $0x1400  }
0x68: {  	p0 =	por $0x0, $0x0;
	p3 =	por @!p2 $0x1, $0x1;
	[sflag:s11] =	ssyncset.done @!p2 $0x0  }
0x69: {  	p1 =	seq.s32 s10, $0x0;
	p0 =	por @!p2 p3, p3;
	[sflag:s11] =	ssyncadd.s32 @!p2 $0xFFFFEC00  }
.LBB2_7:
0x6a: {  	s17 =	simm.s32 $0x400  }
0x6b: {  	s11 =	simm.s32 $0x2C00;
	v0 =	vld [tilespmem:s17+$0x80]  }
0x6c: {  	v1 =	vld [tilespmem:s11+$0x80];
	_ =	sdelay $0x4  }
0x6d: {  	v2 =	vld [tilespmem:s17+$0xFFFFFF80];
	v0 =	vadd.f32 v1, v0  }
0x6e: {  	v1 =	vld [tilespmem:s11+$0xFFFFFF80]  }
0x6f: {  	s12 =	simm.s32 $0x5400;
	v3 =	vld [tilespmem:s11+$0xFFFFFF00];
	v0 =	vmax.f32 v0, $0.0e+00  }
0x70: {  	v4 =	vld [tilespmem:s17+$0xFFFFFF00];
	[tilespmem:s12+$0x80] =	vst v0  }
0x71: {  	v0 =	vld [tilespmem:s17+$0x90]  }
0x72: {  	v5 =	vld [tilespmem:s11+$0x90]  }
0x73: {  	v6 =	vld [tilespmem:s17+$0x0];
	v1 =	vadd.f32 v1, v2  }
0x74: {  	v2 =	vld [tilespmem:s11+$0x0]  }
0x75: {  	v3 =	vadd.f32 v3, v4;
	v1 =	vmax.f32 v1, $0.0e+00  }
0x76: {  	[tilespmem:s12+$0xFFFFFF80] =	vst v1  }
0x77: {  	v3 =	vmax.f32 v3, $0.0e+00;
	v1 =	vld [tilespmem:s17+$0xFFFFFF90];
	v0 =	vadd.f32 v5, v0  }
0x78: {  	[tilespmem:s12+$0xFFFFFF00] =	vst v3;
	v4 =	vld [tilespmem:s11+$0xFFFFFF90]  }
0x79: {  	v3 =	vld [tilespmem:s17+$0xFFFFFF10];
	v2 =	vadd.f32 v2, v6;
	v0 =	vmax.f32 v0, $0.0e+00  }
0x7a: {  	v5 =	vld [tilespmem:s11+$0xFFFFFF10];
	[tilespmem:s12+$0x90] =	vst v0  }
0x7b: {  	v0 =	vmax.f32 v2, $0.0e+00;
	v2 =	vld [tilespmem:s17+$0xA0]  }
0x7c: {  	[tilespmem:s12+$0x0] =	vst v0;
	v0 =	vld [tilespmem:s11+$0xA0]  }
0x7d: {  	v6 =	vld [tilespmem:s17+$0x10];
	v1 =	vadd.f32 v4, v1  }
0x7e: {  	v4 =	vld [tilespmem:s11+$0x10]  }
0x7f: {  	v1 =	vmax.f32 v1, $0.0e+00  }
0x80: {  	v3 =	vadd.f32 v5, v3;
	[tilespmem:s12+$0xFFFFFF90] =	vst v1  }
0x81: {  	v1 =	vld [tilespmem:s17+$0xFFFFFFA0];
	v0 =	vadd.f32 v0, v2  }
0x82: {  	v3 =	vmax.f32 v3, $0.0e+00;
	v2 =	vld [tilespmem:s11+$0xFFFFFFA0]  }
0x83: {  	[tilespmem:s12+$0xFFFFFF10] =	vst v3;
	v3 =	vadd.f32 v4, v6;
	v0 =	vmax.f32 v0, $0.0e+00  }
0x84: {  	[tilespmem:s12+$0xA0] =	vst v0  }
0x85: {  	v0 =	vmax.f32 v3, $0.0e+00;
	v3 =	vld [tilespmem:s17+$0xB0]  }
0x86: {  	[tilespmem:s12+$0x10] =	vst v0;
	v0 =	vld [tilespmem:s11+$0xB0]  }
0x87: {  	v1 =	vadd.f32 v2, v1;
	v2 =	vld [tilespmem:s17+$0x20]  }
0x88: {  	v6 =	vld [tilespmem:s11+$0x20]  }
0x89: {  	v5 =	vld [tilespmem:s11+$0xFFFFFF20];
	v1 =	vmax.f32 v1, $0.0e+00  }
0x8a: {  	v4 =	vld [tilespmem:s17+$0xFFFFFF20];
	[tilespmem:s12+$0xFFFFFFA0] =	vst v1  }
0x8b: {  	v1 =	vld [tilespmem:s17+$0xFFFFFFB0];
	v0 =	vadd.f32 v0, v3  }
0x8c: {  	v3 =	vld [tilespmem:s11+$0xFFFFFFB0]  }
0x8d: {  	v2 =	vadd.f32 v6, v2;
	v0 =	vmax.f32 v0, $0.0e+00  }
0x8e: {  	[tilespmem:s12+$0xB0] =	vst v0  }
0x8f: {  	v4 =	vadd.f32 v5, v4;
	v0 =	vmax.f32 v2, $0.0e+00;
	v2 =	vld [tilespmem:s17+$0xC0]  }
0x90: {  	[tilespmem:s12+$0x20] =	vst v0;
	v0 =	vld [tilespmem:s11+$0xC0]  }
0x91: {  	v4 =	vmax.f32 v4, $0.0e+00;
	v1 =	vadd.f32 v3, v1;
	v3 =	vld [tilespmem:s17+$0x30]  }
0x92: {  	[tilespmem:s12+$0xFFFFFF20] =	vst v4;
	v6 =	vld [tilespmem:s11+$0x30]  }
0x93: {  	v4 =	vld [tilespmem:s17+$0xFFFFFF30];
	v1 =	vmax.f32 v1, $0.0e+00  }
0x94: {  	v5 =	vld [tilespmem:s11+$0xFFFFFF30];
	[tilespmem:s12+$0xFFFFFFB0] =	vst v1  }
0x95: {  	v1 =	vld [tilespmem:s17+$0xFFFFFFC0];
	v0 =	vadd.f32 v0, v2  }
0x96: {  	v2 =	vld [tilespmem:s11+$0xFFFFFFC0]  }
0x97: {  	s16 =	simm.s32 $0x2E00;
	v3 =	vadd.f32 v6, v3;
	v0 =	vmax.f32 v0, $0.0e+00  }
0x98: {  	v10 =	vld [tilespmem:s16+$0xFFFFFF00];
	[tilespmem:s12+$0xC0] =	vst v0  }
0x99: {  	v0 =	vmax.f32 v3, $0.0e+00;
	v3 =	vld [tilespmem:s17+$0xD0]  }
0x9a: {  	v4 =	vadd.f32 v5, v4;
	[tilespmem:s12+$0x30] =	vst v0;
	v0 =	vld [tilespmem:s11+$0xD0]  }
0x9b: {  	v1 =	vadd.f32 v2, v1;
	v2 =	vld [tilespmem:s17+$0x40]  }
0x9c: {  	s15 =	simm.s32 $0x600;
	v4 =	vmax.f32 v4, $0.0e+00;
	v6 =	vld [tilespmem:s11+$0x40]  }
0x9d: {  	v53 =	vld [tilespmem:s15+$0xFFFFFF00];
	[tilespmem:s12+$0xFFFFFF30] =	vst v4  }
0x9e: {  	v4 =	vld [tilespmem:s17+$0xFFFFFF40]  }
0x9f: {  	v5 =	vld [tilespmem:s11+$0xFFFFFF40];
	v0 =	vadd.f32 v0, v3  }
0xa0: {  	v8 =	vld [tilespmem:s15+$0x80]  }
0xa1: {  	v9 =	vld [tilespmem:s16+$0x80];
	v2 =	vadd.f32 v6, v2;
	v0 =	vmax.f32 v0, $0.0e+00  }
0xa2: {  	v11 =	vld [tilespmem:s16+$0xFFFFFF80];
	v10 =	vadd.f32 v10, v53;
	[tilespmem:s12+$0xD0] =	vst v0  }
0xa3: {  	v0 =	vmax.f32 v2, $0.0e+00;
	v2 =	vld [tilespmem:s17+$0xE0]  }
0xa4: {  	s14 =	simm.s32 $0x5600;
	v10 =	vmax.f32 v10, $0.0e+00;
	v4 =	vadd.f32 v5, v4;
	[tilespmem:s12+$0x40] =	vst v0;
	v0 =	vld [tilespmem:s11+$0xE0]  }
0xa5: {  	v12 =	vld [tilespmem:s15+$0x0];
	[tilespmem:s14+$0xFFFFFF00] =	vst v10;
	v1 =	vmax.f32 v1, $0.0e+00  }
0xa6: {  	v10 =	vld [tilespmem:s15+$0xFFFFFF10];
	[tilespmem:s12+$0xFFFFFFC0] =	vst v1;
	v4 =	vmax.f32 v4, $0.0e+00  }
0xa7: {  	v1 =	vld [tilespmem:s17+$0xFFFFFFD0];
	[tilespmem:s12+$0xFFFFFF40] =	vst v4  }
0xa8: {  	v4 =	vld [tilespmem:s17+$0xFFFFFF50]  }
0xa9: {  	v5 =	vld [tilespmem:s11+$0xFFFFFF50];
	v0 =	vadd.f32 v0, v2  }
0xaa: {  	v2 =	vld [tilespmem:s15+$0xFFFFFF80]  }
0xab: {  	v3 =	vld [tilespmem:s11+$0xFFFFFFD0];
	v0 =	vmax.f32 v0, $0.0e+00  }
0xac: {  	v6 =	vld [tilespmem:s17+$0x50];
	[tilespmem:s12+$0xE0] =	vst v0;
	v0 =	vadd.f32 v9, v8  }
0xad: {  	v7 =	vld [tilespmem:s11+$0x50]  }
0xae: {  	v4 =	vadd.f32 v5, v4;
	v5 =	vld [tilespmem:s16+$0x0];
	v0 =	vmax.f32 v0, $0.0e+00  }
0xaf: {  	v55 =	vld [tilespmem:s16+$0xFFFFFF10];
	v2 =	vadd.f32 v11, v2;
	[tilespmem:s14+$0x80] =	vst v0  }
0xb0: {  	v0 =	vmax.f32 v4, $0.0e+00;
	v4 =	vld [tilespmem:s15+$0x90]  }
0xb1: {  	v1 =	vadd.f32 v3, v1;
	[tilespmem:s12+$0xFFFFFF50] =	vst v0;
	v0 =	vmax.f32 v2, $0.0e+00;
	v2 =	vld [tilespmem:s16+$0x90]  }
0xb2: {  	v6 =	vadd.f32 v7, v6;
	v8 =	vld [tilespmem:s17+$0xF0]  }
0xb3: {  	v1 =	vmax.f32 v1, $0.0e+00;
	v5 =	vadd.f32 v5, v12;
	v52 =	vld [tilespmem:s11+$0xF0];
	[tilespmem:s14+$0xFFFFFF80] =	vst v0  }
0xb4: {  	[tilespmem:s12+$0xFFFFFFD0] =	vst v1;
	v6 =	vmax.f32 v6, $0.0e+00;
	v3 =	vld [tilespmem:s15+$0xFFFFFF90]  }
0xb5: {  	v1 =	vmax.f32 v5, $0.0e+00;
	[tilespmem:s12+$0x50] =	vst v6;
	v54 =	vld [tilespmem:s16+$0xFFFFFF90]  }
0xb6: {  	v6 =	vld [tilespmem:s11+$0xFFFFFFE0];
	[tilespmem:s14+$0x0] =	vst v1;
	v1 =	vadd.f32 v2, v4  }
0xb7: {  	v58 =	vld [tilespmem:s17+$0x60]  }
0xb8: {  	v59 =	vld [tilespmem:s11+$0x60];
	v1 =	vmax.f32 v1, $0.0e+00  }
0xb9: {  	v0 =	vld [tilespmem:s17+$0xFFFFFF60];
	[tilespmem:s14+$0x90] =	vst v1  }
0xba: {  	v3 =	vadd.f32 v54, v3;
	v1 =	vld [tilespmem:s15+$0xA0]  }
0xbb: {  	v56 =	vld [tilespmem:s16+$0xA0]  }
0xbc: {  	v4 =	vld [tilespmem:s15+$0x10];
	v3 =	vmax.f32 v3, $0.0e+00  }
0xbd: {  	[tilespmem:s14+$0xFFFFFF90] =	vst v3;
	v3 =	vld [tilespmem:s16+$0x10]  }
0xbe: {  	v10 =	vadd.f32 v55, v10;
	v7 =	vld [tilespmem:s15+$0xFFFFFFA0]  }
0xbf: {  	v57 =	vld [tilespmem:s16+$0xFFFFFFA0]  }
0xc0: {  	v10 =	vmax.f32 v10, $0.0e+00;
	v5 =	vld [tilespmem:s11+$0xFFFFFF60];
	v1 =	vadd.f32 v56, v1  }
0xc1: {  	[tilespmem:s14+$0xFFFFFF10] =	vst v10;
	v2 =	vld [tilespmem:s17+$0xFFFFFFE0]  }
0xc2: {  	v3 =	vadd.f32 v3, v4;
	v4 =	vld [tilespmem:s15+$0xFFFFFF20];
	v1 =	vmax.f32 v1, $0.0e+00  }
0xc3: {  	[tilespmem:s14+$0xA0] =	vst v1;
	v1 =	vld [tilespmem:s16+$0xFFFFFF20]  }
0xc4: {  	v7 =	vadd.f32 v57, v7;
	v3 =	vmax.f32 v3, $0.0e+00;
	v60 =	vld [tilespmem:s15+$0xB0]  }
0xc5: {  	v0 =	vadd.f32 v5, v0;
	[tilespmem:s14+$0x10] =	vst v3;
	v3 =	vld [tilespmem:s16+$0xB0]  }
0xc6: {  	v5 =	vmax.f32 v7, $0.0e+00;
	v7 =	vld [tilespmem:s15+$0x20]  }
0xc7: {  	v0 =	vmax.f32 v0, $0.0e+00;
	[tilespmem:s14+$0xFFFFFFA0] =	vst v5;
	v5 =	vld [tilespmem:s16+$0x20]  }
0xc8: {  	[tilespmem:s12+$0xFFFFFF60] =	vst v0;
	v0 =	vld [tilespmem:s16+$0xFFFFFFB0];
	v1 =	vadd.f32 v1, v4  }
0xc9: {  	v4 =	vld [tilespmem:s15+$0xFFFFFFB0]  }
0xca: {  	v61 =	vld [tilespmem:s17+$0xFFFFFF70];
	v3 =	vadd.f32 v3, v60;
	v1 =	vmax.f32 v1, $0.0e+00  }
0xcb: {  	[tilespmem:s14+$0xFFFFFF20] =	vst v1;
	v1 =	vld [tilespmem:s11+$0xFFFFFF70]  }
0xcc: {  	v5 =	vadd.f32 v5, v7;
	v3 =	vmax.f32 v3, $0.0e+00;
	v7 =	vld [tilespmem:s15+$0xFFFFFF30]  }
0xcd: {  	[tilespmem:s14+$0xB0] =	vst v3;
	v3 =	vld [tilespmem:s16+$0xFFFFFF30]  }
0xce: {  	v0 =	vadd.f32 v0, v4;
	v4 =	vmax.f32 v5, $0.0e+00;
	v5 =	vld [tilespmem:s15+$0xC0]  }
0xcf: {  	[tilespmem:s14+$0x20] =	vst v4;
	v4 =	vld [tilespmem:s16+$0xC0]  }
0xd0: {  	v2 =	vadd.f32 v6, v2;
	v0 =	vmax.f32 v0, $0.0e+00;
	v6 =	vld [tilespmem:s15+$0x30]  }
0xd1: {  	[tilespmem:s14+$0xFFFFFFB0] =	vst v0;
	v0 =	vld [tilespmem:s16+$0x30]  }
0xd2: {  	v2 =	vmax.f32 v2, $0.0e+00;
	v3 =	vadd.f32 v3, v7;
	v7 =	vld [tilespmem:s15+$0xFFFFFFC0]  }
0xd3: {  	[tilespmem:s12+$0xFFFFFFE0] =	vst v2;
	v2 =	vld [tilespmem:s16+$0xFFFFFFC0]  }
0xd4: {  	v3 =	vmax.f32 v3, $0.0e+00;
	v4 =	vadd.f32 v4, v5;
	v5 =	vld [tilespmem:s17+$0xFFFFFFF0]  }
0xd5: {  	[tilespmem:s14+$0xFFFFFF30] =	vst v3;
	v3 =	vld [tilespmem:s11+$0xFFFFFFF0]  }
0xd6: {  	v0 =	vadd.f32 v0, v6;
	v6 =	vld [tilespmem:s15+$0xFFFFFF40];
	v4 =	vmax.f32 v4, $0.0e+00  }
0xd7: {  	[tilespmem:s14+$0xC0] =	vst v4;
	v4 =	vld [tilespmem:s16+$0xFFFFFF40]  }
0xd8: {  	v2 =	vadd.f32 v2, v7;
	v0 =	vmax.f32 v0, $0.0e+00;
	v7 =	vld [tilespmem:s15+$0xD0]  }
0xd9: {  	[tilespmem:s14+$0x30] =	vst v0;
	v0 =	vld [tilespmem:s16+$0xD0]  }
0xda: {  	v10 =	vadd.f32 v59, v58;
	v2 =	vmax.f32 v2, $0.0e+00;
	v62 =	vld [tilespmem:s15+$0x40]  }
0xdb: {  	[tilespmem:s14+$0xFFFFFFC0] =	vst v2;
	v2 =	vld [tilespmem:s16+$0x40]  }
0xdc: {  	v10 =	vmax.f32 v10, $0.0e+00;
	v63 =	vld [tilespmem:s16+$0xFFFFFFD0];
	v4 =	vadd.f32 v4, v6  }
0xdd: {  	v8 =	vadd.f32 v52, v8;
	[tilespmem:s12+$0x60] =	vst v10;
	v6 =	vld [tilespmem:s15+$0xFFFFFFD0]  }
0xde: {  	v10 =	vld [tilespmem:s11+$0x70];
	v4 =	vmax.f32 v4, $0.0e+00;
	v0 =	vadd.f32 v0, v7  }
0xdf: {  	v8 =	vmax.f32 v8, $0.0e+00;
	v1 =	vadd.f32 v1, v61;
	v7 =	vld [tilespmem:s17+$0x70];
	[tilespmem:s14+$0xFFFFFF40] =	vst v4  }
0xe0: {  	[tilespmem:s12+$0xF0] =	vst v8;
	v8 =	vadd.f32 v2, v62;
	v2 =	vld [tilespmem:s15+$0xFFFFFF50];
	v0 =	vmax.f32 v0, $0.0e+00  }
0xe1: {  	v1 =	vmax.f32 v1, $0.0e+00;
	v3 =	vadd.f32 v3, v5;
	v4 =	vld [tilespmem:s16+$0xFFFFFF50];
	[tilespmem:s14+$0xD0] =	vst v0  }
0xe2: {  	[tilespmem:s12+$0xFFFFFF70] =	vst v1;
	v1 =	vadd.f32 v63, v6;
	v5 =	vmax.f32 v8, $0.0e+00;
	v0 =	vld [tilespmem:s15+$0xE0]  }
0xe3: {  	v6 =	vmax.f32 v3, $0.0e+00;
	[tilespmem:s14+$0x40] =	vst v5;
	v3 =	vld [tilespmem:s16+$0xE0]  }
0xe4: {  	s18 =	simm.s32 $0x4;
	[tilespmem:s12+$0xFFFFFFF0] =	vst v6;
	v6 =	vmax.f32 v1, $0.0e+00;
	v5 =	vld [tilespmem:s15+$0x50];
	v1 =	vadd.f32 v10, v7  }
0xe5: {  	s28 =	simm.s32 $0x800;
	s11 =	sshll.u32 s8, $0x1;
	s17 =	simm.s32 $0x2E00;
	[tilespmem:s14+$0xFFFFFFD0] =	vst v6;
	v6 =	vld [tilespmem:s16+$0x50]  }
.LBB2_8:
0xe6: {  	v7 =	vld [tilespmem:s28+$0x80];
	v2 =	vadd.f32 v4, v2;
	s16 =	sadd.s32 $0x200, s16;
	v1 =	vmax.f32 v1, $0.0e+00  }
0xe7: {  	v4 =	vld [tilespmem:s16+$0x80];
	[tilespmem:s12+$0x70] =	vst v1;
	s12 =	smov.u32 s14  }
0xe8: {  	v1 =	vld [tilespmem:s16+$0xFFFFFF00];
	v2 =	vmax.f32 v2, $0.0e+00;
	v0 =	vadd.f32 v3, v0  }
0xe9: {  	v3 =	vld [tilespmem:s28+$0xFFFFFF80];
	[tilespmem:s14+$0xFFFFFF50] =	vst v2  }
0xea: {  	v2 =	vld [tilespmem:s16+$0xFFFFFF80];
	v5 =	vadd.f32 v6, v5;
	v0 =	vmax.f32 v0, $0.0e+00  }
0xeb: {  	v6 =	vld [tilespmem:s28+$0x0];
	[tilespmem:s14+$0xE0] =	vst v0  }
0xec: {  	v0 =	vadd.f32 v4, v7;
	v4 =	vmax.f32 v5, $0.0e+00;
	v5 =	vld [tilespmem:s15+$0xF0]  }
0xed: {  	[tilespmem:s14+$0x50] =	vst v4;
	v4 =	vld [tilespmem:s17+$0xF0]  }
0xee: {  	s18 =	sadd.s32 $0x4, s18;
	s14 =	sadd.s32 $0x200, s14;
	v7 =	vld [tilespmem:s16+$0x0];
	v0 =	vmax.f32 v0, $0.0e+00  }
0xef: {  	p2 =	slt.u32 s18, $0x24;
	v8 =	vld [tilespmem:s28+$0xFFFFFF00];
	v2 =	vadd.f32 v2, v3;
	[tilespmem:s14+$0x80] =	vst v0  }
0xf0: {  	v0 =	vld [tilespmem:s28+$0x90]  }
0xf1: {  	v2 =	vmax.f32 v2, $0.0e+00;
	v3 =	vld [tilespmem:s16+$0x90]  }
0xf2: {  	[tilespmem:s14+$0xFFFFFF80] =	vst v2;
	v2 =	vld [tilespmem:s15+$0xFFFFFF60];
	v4 =	vadd.f32 v4, v5  }
0xf3: {  	v5 =	vld [tilespmem:s28+$0xFFFFFF90];
	v6 =	vadd.f32 v7, v6  }
0xf4: {  	v1 =	vadd.f32 v1, v8;
	v7 =	vld [tilespmem:s16+$0xFFFFFF90];
	v4 =	vmax.f32 v4, $0.0e+00  }
0xf5: {  	v6 =	vmax.f32 v6, $0.0e+00;
	v8 =	vld [tilespmem:s17+$0xFFFFFF60];
	[tilespmem:s12+$0xF0] =	vst v4  }
0xf6: {  	v1 =	vmax.f32 v1, $0.0e+00;
	[tilespmem:s14+$0x0] =	vst v6;
	v0 =	vadd.f32 v3, v0;
	v3 =	vld [tilespmem:s15+$0xFFFFFFE0]  }
0xf7: {  	[tilespmem:s14+$0xFFFFFF00] =	vst v1;
	v1 =	vld [tilespmem:s28+$0x10]  }
0xf8: {  	v4 =	vld [tilespmem:s28+$0xFFFFFF10];
	v0 =	vmax.f32 v0, $0.0e+00  }
0xf9: {  	v6 =	vld [tilespmem:s16+$0xFFFFFF10];
	v5 =	vadd.f32 v7, v5;
	[tilespmem:s14+$0x90] =	vst v0  }
0xfa: {  	v0 =	vld [tilespmem:s28+$0xA0];
	v2 =	vadd.f32 v8, v2  }
0xfb: {  	v5 =	vmax.f32 v5, $0.0e+00;
	v7 =	vld [tilespmem:s16+$0xA0]  }
0xfc: {  	[tilespmem:s14+$0xFFFFFF90] =	vst v5;
	v5 =	vld [tilespmem:s16+$0x10];
	v2 =	vmax.f32 v2, $0.0e+00  }
0xfd: {  	v8 =	vld [tilespmem:s28+$0xFFFFFFA0];
	[tilespmem:s12+$0xFFFFFF60] =	vst v2  }
0xfe: {  	v2 =	vadd.f32 v6, v4;
	v4 =	vld [tilespmem:s16+$0xFFFFFFA0]  }
0xff: {  	v6 =	vld [tilespmem:s17+$0xFFFFFFE0]  }
0x100: {  	v2 =	vmax.f32 v2, $0.0e+00;
	v0 =	vadd.f32 v7, v0;
	v7 =	vld [tilespmem:s15+$0x60]  }
0x101: {  	[tilespmem:s14+$0xFFFFFF10] =	vst v2;
	v1 =	vadd.f32 v5, v1;
	v2 =	vld [tilespmem:s17+$0x60]  }
0x102: {  	v5 =	vld [tilespmem:s28+$0xFFFFFF20];
	v0 =	vmax.f32 v0, $0.0e+00  }
0x103: {  	v9 =	vld [tilespmem:s16+$0xFFFFFF20];
	v4 =	vadd.f32 v4, v8;
	v1 =	vmax.f32 v1, $0.0e+00;
	[tilespmem:s14+$0xA0] =	vst v0  }
0x104: {  	[tilespmem:s14+$0x10] =	vst v1;
	v0 =	vld [tilespmem:s28+$0xB0];
	v1 =	vadd.f32 v6, v3  }
0x105: {  	v3 =	vmax.f32 v4, $0.0e+00;
	v4 =	vld [tilespmem:s16+$0xB0]  }
0x106: {  	[tilespmem:s14+$0xFFFFFFA0] =	vst v3;
	v3 =	vld [tilespmem:s28+$0x20];
	v1 =	vmax.f32 v1, $0.0e+00;
	v2 =	vadd.f32 v2, v7  }
0x107: {  	v6 =	vld [tilespmem:s16+$0x20];
	[tilespmem:s12+$0xFFFFFFE0] =	vst v1  }
0x108: {  	v1 =	vadd.f32 v9, v5;
	v5 =	vld [tilespmem:s28+$0xFFFFFFB0];
	v2 =	vmax.f32 v2, $0.0e+00  }
0x109: {  	v7 =	vld [tilespmem:s16+$0xFFFFFFB0];
	[tilespmem:s12+$0x60] =	vst v2  }
0x10a: {  	v1 =	vmax.f32 v1, $0.0e+00;
	v0 =	vadd.f32 v4, v0;
	v2 =	vld [tilespmem:s15+$0xFFFFFF70]  }
0x10b: {  	[tilespmem:s14+$0xFFFFFF20] =	vst v1;
	v1 =	vld [tilespmem:s17+$0xFFFFFF70]  }
0x10c: {  	v4 =	vld [tilespmem:s28+$0xFFFFFF30];
	v3 =	vadd.f32 v6, v3;
	v0 =	vmax.f32 v0, $0.0e+00  }
0x10d: {  	v6 =	vld [tilespmem:s16+$0xFFFFFF30];
	[tilespmem:s14+$0xB0] =	vst v0  }
0x10e: {  	v0 =	vadd.f32 v7, v5;
	v3 =	vmax.f32 v3, $0.0e+00;
	v5 =	vld [tilespmem:s28+$0xC0]  }
0x10f: {  	[tilespmem:s14+$0x20] =	vst v3;
	v3 =	vld [tilespmem:s16+$0xC0]  }
0x110: {  	v0 =	vmax.f32 v0, $0.0e+00;
	v7 =	vld [tilespmem:s28+$0x30];
	v1 =	vadd.f32 v1, v2  }
0x111: {  	[tilespmem:s14+$0xFFFFFFB0] =	vst v0;
	v0 =	vld [tilespmem:s16+$0x30]  }
0x112: {  	v2 =	vadd.f32 v6, v4;
	v4 =	vld [tilespmem:s28+$0xFFFFFFC0];
	v1 =	vmax.f32 v1, $0.0e+00  }
0x113: {  	v6 =	vld [tilespmem:s16+$0xFFFFFFC0];
	[tilespmem:s12+$0xFFFFFF70] =	vst v1  }
0x114: {  	v1 =	vmax.f32 v2, $0.0e+00;
	v2 =	vadd.f32 v3, v5;
	v3 =	vld [tilespmem:s15+$0xFFFFFFF0]  }
0x115: {  	[tilespmem:s14+$0xFFFFFF30] =	vst v1;
	v1 =	vld [tilespmem:s17+$0xFFFFFFF0]  }
0x116: {  	v5 =	vld [tilespmem:s28+$0xFFFFFF40];
	v0 =	vadd.f32 v0, v7;
	v2 =	vmax.f32 v2, $0.0e+00  }
0x117: {  	v7 =	vld [tilespmem:s16+$0xFFFFFF40];
	[tilespmem:s14+$0xC0] =	vst v2  }
0x118: {  	v2 =	vadd.f32 v6, v4;
	v0 =	vmax.f32 v0, $0.0e+00;
	v4 =	vld [tilespmem:s28+$0xD0]  }
0x119: {  	[tilespmem:s14+$0x30] =	vst v0;
	v0 =	vld [tilespmem:s16+$0xD0]  }
0x11a: {  	v2 =	vmax.f32 v2, $0.0e+00;
	v6 =	vld [tilespmem:s28+$0x40];
	v1 =	vadd.f32 v1, v3  }
0x11b: {  	[tilespmem:s14+$0xFFFFFFC0] =	vst v2;
	v3 =	vld [tilespmem:s16+$0x40]  }
0x11c: {  	v2 =	vadd.f32 v7, v5;
	v5 =	vld [tilespmem:s28+$0xFFFFFFD0];
	v1 =	vmax.f32 v1, $0.0e+00  }
0x11d: {  	v7 =	vld [tilespmem:s16+$0xFFFFFFD0];
	[tilespmem:s12+$0xFFFFFFF0] =	vst v1  }
0x11e: {  	v1 =	vmax.f32 v2, $0.0e+00;
	v0 =	vadd.f32 v0, v4;
	v8 =	vld [tilespmem:s15+$0x70];
	s15 =	smov.u32 s28  }
0x11f: {  	[tilespmem:s14+$0xFFFFFF40] =	vst v1;
	v1 =	vld [tilespmem:s17+$0x70];
	s17 =	smov.u32 s16  }
0x120: {  	v2 =	vld [tilespmem:s28+$0xFFFFFF50];
	v3 =	vadd.f32 v3, v6;
	v0 =	vmax.f32 v0, $0.0e+00  }
.Ltmp4:
0x121: {  	v4 =	vld [tilespmem:s16+$0xFFFFFF50];
	[tilespmem:s14+$0xD0] =	vst v0;
	(pc) =	sbr.rel @p2 .LBB2_8-.Ltmp4, $4  }
0x122: {  	v5 =	vadd.f32 v7, v5;
	v3 =	vmax.f32 v3, $0.0e+00;
	v0 =	vld [tilespmem:s28+$0xE0]  }
0x123: {  	[tilespmem:s14+$0x40] =	vst v3;
	v3 =	vld [tilespmem:s16+$0xE0]  }
0x124: {  	v6 =	vmax.f32 v5, $0.0e+00;
	v5 =	vld [tilespmem:s28+$0x50];
	v1 =	vadd.f32 v1, v8  }
0x125: {  	s28 =	sadd.s32 $0x200, s28;
	[tilespmem:s14+$0xFFFFFFD0] =	vst v6;
	v6 =	vld [tilespmem:s16+$0x50]  }
0x126: {  	v2 =	vadd.f32 v4, v2;
	_ =	sdelay $0x1  }
0x127: {  	v2 =	vmax.f32 v2, $0.0e+00  }
0x128: {  	[tilespmem:s14+$0xFFFFFF50] =	vst v2  }
0x129: {  	v2 =	vadd.f32 v6, v5;
	v4 =	vld [tilespmem:s15+$0xFFFFFF60]  }
0x12a: {  	v5 =	vld [tilespmem:s17+$0xFFFFFF60]  }
0x12b: {  	v6 =	vld [tilespmem:s15+$0xFFFFFFE0];
	v2 =	vmax.f32 v2, $0.0e+00  }
0x12c: {  	[tilespmem:s14+$0x50] =	vst v2;
	v2 =	vld [tilespmem:s17+$0xFFFFFFE0]  }
0x12d: {  	v0 =	vadd.f32 v3, v0;
	v3 =	vld [tilespmem:s15+$0x60]  }
0x12e: {  	v7 =	vld [tilespmem:s17+$0x60]  }
0x12f: {  	v0 =	vmax.f32 v0, $0.0e+00;
	v4 =	vadd.f32 v5, v4  }
0x130: {  	[tilespmem:s14+$0xE0] =	vst v0  }
0x131: {  	v0 =	vld [tilespmem:s15+$0xF0];
	v4 =	vmax.f32 v4, $0.0e+00;
	v2 =	vadd.f32 v2, v6  }
0x132: {  	v5 =	vld [tilespmem:s17+$0xF0];
	[tilespmem:s14+$0xFFFFFF60] =	vst v4  }
0x133: {  	v3 =	vadd.f32 v7, v3;
	v4 =	vld [tilespmem:s15+$0xFFFFFF70];
	v2 =	vmax.f32 v2, $0.0e+00  }
0x134: {  	[tilespmem:s14+$0xFFFFFFE0] =	vst v2;
	v2 =	vld [tilespmem:s17+$0xFFFFFF70]  }
0x135: {  	v3 =	vmax.f32 v3, $0.0e+00;
	v6 =	vld [tilespmem:s15+$0xFFFFFFF0]  }
0x136: {  	[tilespmem:s14+$0x60] =	vst v3;
	v3 =	vld [tilespmem:s17+$0xFFFFFFF0]  }
0x137: {  	v7 =	vld [tilespmem:s15+$0x70]  }
0x138: {  	v8 =	vld [tilespmem:s17+$0x70];
	_ =	sdelay $0x1  }
0x139: {  	v0 =	vadd.f32 v5, v0  }
0x13a: {  	v1 =	vmax.f32 v1, $0.0e+00;
	p3 =	seq.s32 s10, $0x0;
	v2 =	vadd.f32 v2, v4  }
0x13b: {  	[tilespmem:s12+$0x70] =	vst v1;
	p4 =	seq.s32 @p3 s8, $0x7C;
	v0 =	vmax.f32 v0, $0.0e+00;
	v1 =	vadd.f32 v3, v6  }
0x13c: {  	s12 =	sor.u32 @p3 $0x2, s11;
	p2 =	por p4, !p3;
	[tilespmem:s14+$0xF0] =	vst v0;
	v0 =	vmax.f32 v2, $0.0e+00;
	v2 =	vadd.f32 v8, v7  }
0x13d: {  	s16 =	sadd.s32 @!p2 s13, s12;
	[tilespmem:s14+$0xFFFFFF70] =	vst v0;
	v0 =	vmax.f32 v1, $0.0e+00  }
0x13e: {  	s18 =	smul.u32 @!p2 $0x5, s16;
	[tilespmem:s14+$0xFFFFFFF0] =	vst v0;
	v0 =	vmax.f32 v2, $0.0e+00  }
0x13f: {  	s15 =	simm.s32 @p3 $0x28;
	s17 =	simm.s32 @p3 $0x5300;
	[tilespmem:s14+$0x70] =	vst v0;
	s14 =	simm.s32 @p3 $0x100  }
0x140: {  	[spmem:s4] =	stream.indirect.scatter.add.f32 @p3 [tilespmem:s17], [sflag:$0x5], $0x80, s14, s15, $0xb8;
	[tilespmem:$0x1B700] =	vst v63  }
0x141: {  	s16 =	smul.u32 @!p2 $0x280, s16;
	s14 =	sadd.s32 @!p2 s7, s18;
	s15 =	simm.s32 @!p2 $0x0  }
0x142: {  	[tilespmem:s15], [sflag:$0x1] =	stream.linear.gather @!p2 [hbm4b:s14+s15], $0x28, $0x38;
	[tilespmem:$0x1B700] =	vst v63  }
0x143: {  	s14 =	sadd.s32 @!p2 s3, s16;
	s16 =	simm.s32 @!p2 $0x2B00  }
0x144: {  	[tilespmem:s16], [sflag:$0x1] =	stream.linear.gather @!p2 [hbm4b:s14+s15], $0x1400, $0x38;
	[tilespmem:$0x1B700] =	vst v63  }
0x145: {  	s14 =	sadd.s32 @!p2 s2, s18;
	s16 =	simm.s32 @!p2 $0x200  }
0x146: {  	[tilespmem:s16], [sflag:$0x9] =	stream.linear.gather @!p2 [hbm4b:s14+s15], $0x28, $0x38;
	[tilespmem:$0x1B700] =	vst v63  }
0x147: {  	s14 =	sadd.s32 @!p3 $0x2, s11  }
0x148: {  	s14 =	smov.u32 @p3 s12  }
0x149: {  	p5 =	por @p3 $0x0, $0x0;
	s15 =	simm.s32 @p0 $0x200;
	s14 =	sadd.s32 @p0 s13, s14  }
0x14a: {  	s16 =	simm.s32 @p0 $0x5300;
	s12 =	simm.s32 @p0 $0x28;
	s17 =	smul.u32 @p0 $0x5, s14  }
0x14b: {  	[spmem:s4] =	stream.indirect.scatter.add.f32 @p0 [tilespmem:s16], [sflag:$0x5], $0x80, s15, s12, $0xb8;
	[tilespmem:$0x1B700] =	vst v63  }
0x14c: {  	s16 =	simm.s32 @p0 $0x0;
	s14 =	smul.u32 @p0 $0x280, s14;
	s15 =	sadd.s32 @p0 s7, s17  }
0x14d: {  	[tilespmem:s16], [sflag:$0x1] =	stream.linear.gather @p0 [hbm4b:s15+s16], $0x28, $0x38;
	[tilespmem:$0x1B700] =	vst v63  }
0x14e: {  	p4 =	por !p4, !p3;
	s14 =	sadd.s32 @p0 s3, s14;
	s15 =	simm.s32 @p0 $0x2B00  }
0x14f: {  	[tilespmem:s15], [sflag:$0x1] =	stream.linear.gather @p0 [hbm4b:s14+s16], $0x1400, $0x38;
	[tilespmem:$0x1B700] =	vst v63  }
0x150: {  	p2 =	por @!p2 $0x1, $0x1;
	s14 =	sadd.s32 @p0 s2, s17;
	s15 =	simm.s32 @p0 $0x100  }
0x151: {  	[tilespmem:s15], [sflag:$0x7] =	stream.linear.gather @p0 [hbm4b:s14+s16], $0x28, $0x38;
	[tilespmem:$0x1B700] =	vst v63  }
0x152: {  	p2 =	por @!p4 p5, p5;
	p4 =	por @!p3 $0x0, $0x0;
	_ =	swait.ge [sflag:s24], $0x1400  }
0x153: {  	p2 =	por @!p3 p4, p4;
	[sflag:s24] =	ssyncset.done $0x0  }
0x154: {  	s14 =	simm.s32 @p2 $0x1;
	[sflag:s24] =	ssyncadd.s32 $0xFFFFEC00  }
0x155: {  	_ =	swait.ge @p2 [sflag:s14], $0x28  }
0x156: {  	[sflag:s14] =	ssyncset.done @p2 $0x0  }
0x157: {  	[sflag:s14] =	ssyncadd.s32 @p2 $0xFFFFFFD8  }
0x158: {  	_ =	swait.ge @p2 [sflag:s14], $0x1400  }
0x159: {  	[sflag:s14] =	ssyncset.done @p2 $0x0  }
0x15a: {  	[sflag:s14] =	ssyncadd.s32 @p2 $0xFFFFEC00;
	s14 =	simm.s32 @p2 $0x9  }
0x15b: {  	_ =	swait.ge @p2 [sflag:s14], $0x28  }
0x15c: {  	s17 =	simm.s32 @p2 $0x300;
	[sflag:s14] =	ssyncset.done @p2 $0x0  }
0x15d: {  	s15 =	simm.s32 @p2 $0x0;
	[sflag:s14] =	ssyncadd.s32 @p2 $0xFFFFFFD8;
	s14 =	simm.s32 @p2 $0x28  }
0x15e: {  	[tilespmem:s17], [sflag:$0x3] =	stream.indirect.gather @p2 [hbm4b:s1+s14], $0x80, s15, s14, $0xb8;
	[tilespmem:$0x1B700] =	vst v63  }
0x15f: {  	s14 =	simm.s32 @p1 $0x6  }
0x160: {  	_ =	swait.ge @p1 [sflag:s14], $0x1400  }
0x161: {  	[sflag:s14] =	ssyncset.done @p1 $0x0  }
0x162: {  	[sflag:s14] =	ssyncadd.s32 @p1 $0xFFFFEC00;
	s14 =	simm.s32 @p0 $0x1  }
0x163: {  	_ =	swait.ge @p0 [sflag:s14], $0x28  }
0x164: {  	[sflag:s14] =	ssyncset.done @p0 $0x0  }
0x165: {  	[sflag:s14] =	ssyncadd.s32 @p0 $0xFFFFFFD8  }
0x166: {  	_ =	swait.ge @p0 [sflag:s14], $0x1400  }
0x167: {  	[sflag:s14] =	ssyncset.done @p0 $0x0  }
0x168: {  	[sflag:s14] =	ssyncadd.s32 @p0 $0xFFFFEC00;
	s14 =	simm.s32 @p0 $0x7  }
0x169: {  	_ =	swait.ge @p0 [sflag:s14], $0x28  }
0x16a: {  	[sflag:s14] =	ssyncset.done @p0 $0x0  }
0x16b: {  	[sflag:s14] =	ssyncadd.s32 @p0 $0xFFFFFFD8;
	s14 =	simm.s32 @p0 $0x300  }
0x16c: {  	[tilespmem:s14], [sflag:$0x3] =	stream.indirect.gather @p0 [hbm4b:s1+s12], $0x80, s16, s12, $0xb8;
	[tilespmem:$0x1B700] =	vst v63  }
0x16d: {  	s12 =	simm.s32 @p0 $0x6  }
0x16e: {  	_ =	swait.ge @p0 [sflag:s12], $0x1400  }
0x16f: {  	[sflag:s12] =	ssyncset.done @p0 $0x0  }
0x170: {  	s18 =	simm.s32 $0x1800;
	[sflag:s12] =	ssyncadd.s32 @p0 $0xFFFFEC00  }
0x171: {  	s17 =	simm.s32 $0x4000;
	v0 =	vld [tilespmem:s18+$0x80]  }
0x172: {  	v1 =	vld [tilespmem:s17+$0x80];
	_ =	sdelay $0x4  }
0x173: {  	v2 =	vld [tilespmem:s18+$0xFFFFFF80];
	v0 =	vadd.f32 v1, v0  }
0x174: {  	v1 =	vld [tilespmem:s17+$0xFFFFFF80]  }
0x175: {  	s12 =	simm.s32 $0x6800;
	v3 =	vld [tilespmem:s17+$0xFFFFFF00];
	v0 =	vmax.f32 v0, $0.0e+00  }
0x176: {  	v4 =	vld [tilespmem:s18+$0xFFFFFF00];
	[tilespmem:s12+$0x80] =	vst v0  }
0x177: {  	v0 =	vld [tilespmem:s18+$0x90]  }
0x178: {  	v5 =	vld [tilespmem:s17+$0x90]  }
0x179: {  	v6 =	vld [tilespmem:s18+$0x0];
	v1 =	vadd.f32 v1, v2  }
0x17a: {  	v2 =	vld [tilespmem:s17+$0x0]  }
0x17b: {  	v3 =	vadd.f32 v3, v4;
	v1 =	vmax.f32 v1, $0.0e+00  }
0x17c: {  	[tilespmem:s12+$0xFFFFFF80] =	vst v1  }
0x17d: {  	v3 =	vmax.f32 v3, $0.0e+00;
	v1 =	vld [tilespmem:s18+$0xFFFFFF90];
	v0 =	vadd.f32 v5, v0  }
0x17e: {  	[tilespmem:s12+$0xFFFFFF00] =	vst v3;
	v4 =	vld [tilespmem:s17+$0xFFFFFF90]  }
0x17f: {  	v3 =	vld [tilespmem:s18+$0xFFFFFF10];
	v2 =	vadd.f32 v2, v6;
	v0 =	vmax.f32 v0, $0.0e+00  }
0x180: {  	v5 =	vld [tilespmem:s17+$0xFFFFFF10];
	[tilespmem:s12+$0x90] =	vst v0  }
0x181: {  	v0 =	vmax.f32 v2, $0.0e+00;
	v2 =	vld [tilespmem:s18+$0xA0]  }
0x182: {  	[tilespmem:s12+$0x0] =	vst v0;
	v0 =	vld [tilespmem:s17+$0xA0]  }
0x183: {  	v6 =	vld [tilespmem:s18+$0x10];
	v1 =	vadd.f32 v4, v1  }
0x184: {  	v4 =	vld [tilespmem:s17+$0x10]  }
0x185: {  	v1 =	vmax.f32 v1, $0.0e+00  }
0x186: {  	v3 =	vadd.f32 v5, v3;
	[tilespmem:s12+$0xFFFFFF90] =	vst v1  }
0x187: {  	v1 =	vld [tilespmem:s18+$0xFFFFFFA0];
	v0 =	vadd.f32 v0, v2  }
0x188: {  	v3 =	vmax.f32 v3, $0.0e+00;
	v2 =	vld [tilespmem:s17+$0xFFFFFFA0]  }
0x189: {  	[tilespmem:s12+$0xFFFFFF10] =	vst v3;
	v3 =	vadd.f32 v4, v6;
	v0 =	vmax.f32 v0, $0.0e+00  }
0x18a: {  	[tilespmem:s12+$0xA0] =	vst v0  }
0x18b: {  	v0 =	vmax.f32 v3, $0.0e+00;
	v3 =	vld [tilespmem:s18+$0xB0]  }
0x18c: {  	[tilespmem:s12+$0x10] =	vst v0;
	v0 =	vld [tilespmem:s17+$0xB0]  }
0x18d: {  	v1 =	vadd.f32 v2, v1;
	v2 =	vld [tilespmem:s18+$0x20]  }
0x18e: {  	v6 =	vld [tilespmem:s17+$0x20]  }
0x18f: {  	v5 =	vld [tilespmem:s17+$0xFFFFFF20];
	v1 =	vmax.f32 v1, $0.0e+00  }
0x190: {  	v4 =	vld [tilespmem:s18+$0xFFFFFF20];
	[tilespmem:s12+$0xFFFFFFA0] =	vst v1  }
0x191: {  	v1 =	vld [tilespmem:s18+$0xFFFFFFB0];
	v0 =	vadd.f32 v0, v3  }
0x192: {  	v3 =	vld [tilespmem:s17+$0xFFFFFFB0]  }
0x193: {  	v2 =	vadd.f32 v6, v2;
	v0 =	vmax.f32 v0, $0.0e+00  }
0x194: {  	[tilespmem:s12+$0xB0] =	vst v0  }
0x195: {  	v4 =	vadd.f32 v5, v4;
	v0 =	vmax.f32 v2, $0.0e+00;
	v2 =	vld [tilespmem:s18+$0xC0]  }
0x196: {  	[tilespmem:s12+$0x20] =	vst v0;
	v0 =	vld [tilespmem:s17+$0xC0]  }
0x197: {  	v4 =	vmax.f32 v4, $0.0e+00;
	v1 =	vadd.f32 v3, v1;
	v3 =	vld [tilespmem:s18+$0x30]  }
0x198: {  	[tilespmem:s12+$0xFFFFFF20] =	vst v4;
	v6 =	vld [tilespmem:s17+$0x30]  }
0x199: {  	v4 =	vld [tilespmem:s18+$0xFFFFFF30];
	v1 =	vmax.f32 v1, $0.0e+00  }
0x19a: {  	v5 =	vld [tilespmem:s17+$0xFFFFFF30];
	[tilespmem:s12+$0xFFFFFFB0] =	vst v1  }
0x19b: {  	v1 =	vld [tilespmem:s18+$0xFFFFFFC0];
	v0 =	vadd.f32 v0, v2  }
0x19c: {  	v2 =	vld [tilespmem:s17+$0xFFFFFFC0]  }
0x19d: {  	s16 =	simm.s32 $0x4200;
	v3 =	vadd.f32 v6, v3;
	v0 =	vmax.f32 v0, $0.0e+00  }
0x19e: {  	v10 =	vld [tilespmem:s16+$0xFFFFFF00];
	[tilespmem:s12+$0xC0] =	vst v0  }
0x19f: {  	v0 =	vmax.f32 v3, $0.0e+00;
	v3 =	vld [tilespmem:s18+$0xD0]  }
0x1a0: {  	v4 =	vadd.f32 v5, v4;
	[tilespmem:s12+$0x30] =	vst v0;
	v0 =	vld [tilespmem:s17+$0xD0]  }
0x1a1: {  	v1 =	vadd.f32 v2, v1;
	v2 =	vld [tilespmem:s18+$0x40]  }
0x1a2: {  	s15 =	simm.s32 $0x1A00;
	v4 =	vmax.f32 v4, $0.0e+00;
	v6 =	vld [tilespmem:s17+$0x40]  }
0x1a3: {  	v53 =	vld [tilespmem:s15+$0xFFFFFF00];
	[tilespmem:s12+$0xFFFFFF30] =	vst v4  }
0x1a4: {  	v4 =	vld [tilespmem:s18+$0xFFFFFF40]  }
0x1a5: {  	v5 =	vld [tilespmem:s17+$0xFFFFFF40];
	v0 =	vadd.f32 v0, v3  }
0x1a6: {  	v8 =	vld [tilespmem:s15+$0x80]  }
0x1a7: {  	v9 =	vld [tilespmem:s16+$0x80];
	v2 =	vadd.f32 v6, v2;
	v0 =	vmax.f32 v0, $0.0e+00  }
0x1a8: {  	v11 =	vld [tilespmem:s16+$0xFFFFFF80];
	v10 =	vadd.f32 v10, v53;
	[tilespmem:s12+$0xD0] =	vst v0  }
0x1a9: {  	v0 =	vmax.f32 v2, $0.0e+00;
	v2 =	vld [tilespmem:s18+$0xE0]  }
0x1aa: {  	s14 =	simm.s32 $0x6A00;
	v10 =	vmax.f32 v10, $0.0e+00;
	v4 =	vadd.f32 v5, v4;
	[tilespmem:s12+$0x40] =	vst v0;
	v0 =	vld [tilespmem:s17+$0xE0]  }
0x1ab: {  	v12 =	vld [tilespmem:s15+$0x0];
	[tilespmem:s14+$0xFFFFFF00] =	vst v10;
	v1 =	vmax.f32 v1, $0.0e+00  }
0x1ac: {  	v10 =	vld [tilespmem:s15+$0xFFFFFF10];
	[tilespmem:s12+$0xFFFFFFC0] =	vst v1;
	v4 =	vmax.f32 v4, $0.0e+00  }
0x1ad: {  	v1 =	vld [tilespmem:s18+$0xFFFFFFD0];
	[tilespmem:s12+$0xFFFFFF40] =	vst v4  }
0x1ae: {  	v4 =	vld [tilespmem:s18+$0xFFFFFF50]  }
0x1af: {  	v5 =	vld [tilespmem:s17+$0xFFFFFF50];
	v0 =	vadd.f32 v0, v2  }
0x1b0: {  	v2 =	vld [tilespmem:s15+$0xFFFFFF80]  }
0x1b1: {  	v3 =	vld [tilespmem:s17+$0xFFFFFFD0];
	v0 =	vmax.f32 v0, $0.0e+00  }
0x1b2: {  	v6 =	vld [tilespmem:s18+$0x50];
	[tilespmem:s12+$0xE0] =	vst v0;
	v0 =	vadd.f32 v9, v8  }
0x1b3: {  	v7 =	vld [tilespmem:s17+$0x50]  }
0x1b4: {  	v4 =	vadd.f32 v5, v4;
	v5 =	vld [tilespmem:s16+$0x0];
	v0 =	vmax.f32 v0, $0.0e+00  }
0x1b5: {  	v55 =	vld [tilespmem:s16+$0xFFFFFF10];
	v2 =	vadd.f32 v11, v2;
	[tilespmem:s14+$0x80] =	vst v0  }
0x1b6: {  	v0 =	vmax.f32 v4, $0.0e+00;
	v4 =	vld [tilespmem:s15+$0x90]  }
0x1b7: {  	v1 =	vadd.f32 v3, v1;
	[tilespmem:s12+$0xFFFFFF50] =	vst v0;
	v0 =	vmax.f32 v2, $0.0e+00;
	v2 =	vld [tilespmem:s16+$0x90]  }
0x1b8: {  	v6 =	vadd.f32 v7, v6;
	v8 =	vld [tilespmem:s18+$0xF0]  }
0x1b9: {  	v1 =	vmax.f32 v1, $0.0e+00;
	v5 =	vadd.f32 v5, v12;
	v52 =	vld [tilespmem:s17+$0xF0];
	[tilespmem:s14+$0xFFFFFF80] =	vst v0  }
0x1ba: {  	[tilespmem:s12+$0xFFFFFFD0] =	vst v1;
	v6 =	vmax.f32 v6, $0.0e+00;
	v3 =	vld [tilespmem:s15+$0xFFFFFF90]  }
0x1bb: {  	v1 =	vmax.f32 v5, $0.0e+00;
	[tilespmem:s12+$0x50] =	vst v6;
	v54 =	vld [tilespmem:s16+$0xFFFFFF90]  }
0x1bc: {  	v6 =	vld [tilespmem:s17+$0xFFFFFFE0];
	[tilespmem:s14+$0x0] =	vst v1;
	v1 =	vadd.f32 v2, v4  }
0x1bd: {  	v58 =	vld [tilespmem:s18+$0x60]  }
0x1be: {  	v59 =	vld [tilespmem:s17+$0x60];
	v1 =	vmax.f32 v1, $0.0e+00  }
0x1bf: {  	v0 =	vld [tilespmem:s18+$0xFFFFFF60];
	[tilespmem:s14+$0x90] =	vst v1  }
0x1c0: {  	v3 =	vadd.f32 v54, v3;
	v1 =	vld [tilespmem:s15+$0xA0]  }
0x1c1: {  	v56 =	vld [tilespmem:s16+$0xA0]  }
0x1c2: {  	v4 =	vld [tilespmem:s15+$0x10];
	v3 =	vmax.f32 v3, $0.0e+00  }
0x1c3: {  	[tilespmem:s14+$0xFFFFFF90] =	vst v3;
	v3 =	vld [tilespmem:s16+$0x10]  }
0x1c4: {  	v10 =	vadd.f32 v55, v10;
	v7 =	vld [tilespmem:s15+$0xFFFFFFA0]  }
0x1c5: {  	v57 =	vld [tilespmem:s16+$0xFFFFFFA0]  }
0x1c6: {  	v10 =	vmax.f32 v10, $0.0e+00;
	v5 =	vld [tilespmem:s17+$0xFFFFFF60];
	v1 =	vadd.f32 v56, v1  }
0x1c7: {  	[tilespmem:s14+$0xFFFFFF10] =	vst v10;
	v2 =	vld [tilespmem:s18+$0xFFFFFFE0]  }
0x1c8: {  	v3 =	vadd.f32 v3, v4;
	v4 =	vld [tilespmem:s15+$0xFFFFFF20];
	v1 =	vmax.f32 v1, $0.0e+00  }
0x1c9: {  	[tilespmem:s14+$0xA0] =	vst v1;
	v1 =	vld [tilespmem:s16+$0xFFFFFF20]  }
0x1ca: {  	v7 =	vadd.f32 v57, v7;
	v3 =	vmax.f32 v3, $0.0e+00;
	v60 =	vld [tilespmem:s15+$0xB0]  }
0x1cb: {  	v0 =	vadd.f32 v5, v0;
	[tilespmem:s14+$0x10] =	vst v3;
	v3 =	vld [tilespmem:s16+$0xB0]  }
0x1cc: {  	v5 =	vmax.f32 v7, $0.0e+00;
	v7 =	vld [tilespmem:s15+$0x20]  }
0x1cd: {  	v0 =	vmax.f32 v0, $0.0e+00;
	[tilespmem:s14+$0xFFFFFFA0] =	vst v5;
	v5 =	vld [tilespmem:s16+$0x20]  }
0x1ce: {  	[tilespmem:s12+$0xFFFFFF60] =	vst v0;
	v0 =	vld [tilespmem:s16+$0xFFFFFFB0];
	v1 =	vadd.f32 v1, v4  }
0x1cf: {  	v4 =	vld [tilespmem:s15+$0xFFFFFFB0]  }
0x1d0: {  	v61 =	vld [tilespmem:s18+$0xFFFFFF70];
	v3 =	vadd.f32 v3, v60;
	v1 =	vmax.f32 v1, $0.0e+00  }
0x1d1: {  	[tilespmem:s14+$0xFFFFFF20] =	vst v1;
	v1 =	vld [tilespmem:s17+$0xFFFFFF70]  }
0x1d2: {  	v5 =	vadd.f32 v5, v7;
	v3 =	vmax.f32 v3, $0.0e+00;
	v7 =	vld [tilespmem:s15+$0xFFFFFF30]  }
0x1d3: {  	[tilespmem:s14+$0xB0] =	vst v3;
	v3 =	vld [tilespmem:s16+$0xFFFFFF30]  }
0x1d4: {  	v0 =	vadd.f32 v0, v4;
	v4 =	vmax.f32 v5, $0.0e+00;
	v5 =	vld [tilespmem:s15+$0xC0]  }
0x1d5: {  	[tilespmem:s14+$0x20] =	vst v4;
	v4 =	vld [tilespmem:s16+$0xC0]  }
0x1d6: {  	v2 =	vadd.f32 v6, v2;
	v0 =	vmax.f32 v0, $0.0e+00;
	v6 =	vld [tilespmem:s15+$0x30]  }
0x1d7: {  	[tilespmem:s14+$0xFFFFFFB0] =	vst v0;
	v0 =	vld [tilespmem:s16+$0x30]  }
0x1d8: {  	v2 =	vmax.f32 v2, $0.0e+00;
	v3 =	vadd.f32 v3, v7;
	v7 =	vld [tilespmem:s15+$0xFFFFFFC0]  }
0x1d9: {  	[tilespmem:s12+$0xFFFFFFE0] =	vst v2;
	v2 =	vld [tilespmem:s16+$0xFFFFFFC0]  }
0x1da: {  	v3 =	vmax.f32 v3, $0.0e+00;
	v4 =	vadd.f32 v4, v5;
	v5 =	vld [tilespmem:s18+$0xFFFFFFF0]  }
0x1db: {  	[tilespmem:s14+$0xFFFFFF30] =	vst v3;
	v3 =	vld [tilespmem:s17+$0xFFFFFFF0]  }
0x1dc: {  	v0 =	vadd.f32 v0, v6;
	v6 =	vld [tilespmem:s15+$0xFFFFFF40];
	v4 =	vmax.f32 v4, $0.0e+00  }
0x1dd: {  	[tilespmem:s14+$0xC0] =	vst v4;
	v4 =	vld [tilespmem:s16+$0xFFFFFF40]  }
0x1de: {  	v2 =	vadd.f32 v2, v7;
	v0 =	vmax.f32 v0, $0.0e+00;
	v7 =	vld [tilespmem:s15+$0xD0]  }
0x1df: {  	[tilespmem:s14+$0x30] =	vst v0;
	v0 =	vld [tilespmem:s16+$0xD0]  }
0x1e0: {  	v10 =	vadd.f32 v59, v58;
	v2 =	vmax.f32 v2, $0.0e+00;
	v62 =	vld [tilespmem:s15+$0x40]  }
0x1e1: {  	[tilespmem:s14+$0xFFFFFFC0] =	vst v2;
	v2 =	vld [tilespmem:s16+$0x40]  }
0x1e2: {  	v10 =	vmax.f32 v10, $0.0e+00;
	v63 =	vld [tilespmem:s16+$0xFFFFFFD0];
	v4 =	vadd.f32 v4, v6  }
0x1e3: {  	v8 =	vadd.f32 v52, v8;
	[tilespmem:s12+$0x60] =	vst v10;
	v6 =	vld [tilespmem:s15+$0xFFFFFFD0]  }
0x1e4: {  	v10 =	vld [tilespmem:s17+$0x70];
	v4 =	vmax.f32 v4, $0.0e+00;
	v0 =	vadd.f32 v0, v7  }
0x1e5: {  	v8 =	vmax.f32 v8, $0.0e+00;
	v1 =	vadd.f32 v1, v61;
	v7 =	vld [tilespmem:s18+$0x70];
	[tilespmem:s14+$0xFFFFFF40] =	vst v4  }
0x1e6: {  	[tilespmem:s12+$0xF0] =	vst v8;
	v8 =	vadd.f32 v2, v62;
	v2 =	vld [tilespmem:s15+$0xFFFFFF50];
	v0 =	vmax.f32 v0, $0.0e+00  }
0x1e7: {  	v1 =	vmax.f32 v1, $0.0e+00;
	v3 =	vadd.f32 v3, v5;
	v4 =	vld [tilespmem:s16+$0xFFFFFF50];
	[tilespmem:s14+$0xD0] =	vst v0  }
0x1e8: {  	[tilespmem:s12+$0xFFFFFF70] =	vst v1;
	v0 =	vadd.f32 v63, v6;
	v5 =	vmax.f32 v8, $0.0e+00;
	v1 =	vld [tilespmem:s15+$0xE0]  }
0x1e9: {  	v6 =	vmax.f32 v3, $0.0e+00;
	[tilespmem:s14+$0x40] =	vst v5;
	v3 =	vld [tilespmem:s16+$0xE0]  }
0x1ea: {  	[tilespmem:s12+$0xFFFFFFF0] =	vst v6;
	v6 =	vmax.f32 v0, $0.0e+00;
	v5 =	vld [tilespmem:s15+$0x50];
	v0 =	vadd.f32 v10, v7  }
0x1eb: {  	s28 =	simm.s32 $0x1C00;
	s17 =	simm.s32 $0x4200;
	s18 =	simm.s32 $0x4;
	[tilespmem:s14+$0xFFFFFFD0] =	vst v6;
	v6 =	vld [tilespmem:s16+$0x50]  }
.LBB2_10:
0x1ec: {  	v7 =	vld [tilespmem:s28+$0x80];
	v2 =	vadd.f32 v4, v2;
	s16 =	sadd.s32 $0x200, s16;
	v0 =	vmax.f32 v0, $0.0e+00  }
0x1ed: {  	v4 =	vld [tilespmem:s16+$0x80];
	[tilespmem:s12+$0x70] =	vst v0;
	s12 =	smov.u32 s14  }
0x1ee: {  	v0 =	vld [tilespmem:s16+$0xFFFFFF00];
	v2 =	vmax.f32 v2, $0.0e+00;
	v1 =	vadd.f32 v3, v1  }
0x1ef: {  	v3 =	vld [tilespmem:s28+$0xFFFFFF80];
	[tilespmem:s14+$0xFFFFFF50] =	vst v2  }
0x1f0: {  	v2 =	vld [tilespmem:s16+$0xFFFFFF80];
	v5 =	vadd.f32 v6, v5;
	v1 =	vmax.f32 v1, $0.0e+00  }
0x1f1: {  	v6 =	vld [tilespmem:s28+$0x0];
	[tilespmem:s14+$0xE0] =	vst v1  }
0x1f2: {  	v1 =	vadd.f32 v4, v7;
	v4 =	vmax.f32 v5, $0.0e+00;
	v5 =	vld [tilespmem:s15+$0xF0]  }
0x1f3: {  	[tilespmem:s14+$0x50] =	vst v4;
	v4 =	vld [tilespmem:s17+$0xF0]  }
0x1f4: {  	s18 =	sadd.s32 $0x4, s18;
	s14 =	sadd.s32 $0x200, s14;
	v7 =	vld [tilespmem:s16+$0x0];
	v1 =	vmax.f32 v1, $0.0e+00  }
0x1f5: {  	p1 =	slt.u32 s18, $0x24;
	v8 =	vld [tilespmem:s28+$0xFFFFFF00];
	v2 =	vadd.f32 v2, v3;
	[tilespmem:s14+$0x80] =	vst v1  }
0x1f6: {  	v1 =	vld [tilespmem:s28+$0x90]  }
0x1f7: {  	v2 =	vmax.f32 v2, $0.0e+00;
	v3 =	vld [tilespmem:s16+$0x90]  }
0x1f8: {  	[tilespmem:s14+$0xFFFFFF80] =	vst v2;
	v2 =	vld [tilespmem:s15+$0xFFFFFF60];
	v4 =	vadd.f32 v4, v5  }
0x1f9: {  	v5 =	vld [tilespmem:s28+$0xFFFFFF90];
	v6 =	vadd.f32 v7, v6  }
0x1fa: {  	v0 =	vadd.f32 v0, v8;
	v7 =	vld [tilespmem:s16+$0xFFFFFF90];
	v4 =	vmax.f32 v4, $0.0e+00  }
0x1fb: {  	v6 =	vmax.f32 v6, $0.0e+00;
	v8 =	vld [tilespmem:s17+$0xFFFFFF60];
	[tilespmem:s12+$0xF0] =	vst v4  }
0x1fc: {  	v0 =	vmax.f32 v0, $0.0e+00;
	[tilespmem:s14+$0x0] =	vst v6;
	v1 =	vadd.f32 v3, v1;
	v3 =	vld [tilespmem:s15+$0xFFFFFFE0]  }
0x1fd: {  	[tilespmem:s14+$0xFFFFFF00] =	vst v0;
	v0 =	vld [tilespmem:s28+$0x10]  }
0x1fe: {  	v4 =	vld [tilespmem:s28+$0xFFFFFF10];
	v1 =	vmax.f32 v1, $0.0e+00  }
0x1ff: {  	v6 =	vld [tilespmem:s16+$0xFFFFFF10];
	v5 =	vadd.f32 v7, v5;
	[tilespmem:s14+$0x90] =	vst v1  }
0x200: {  	v1 =	vld [tilespmem:s28+$0xA0];
	v2 =	vadd.f32 v8, v2  }
0x201: {  	v5 =	vmax.f32 v5, $0.0e+00;
	v7 =	vld [tilespmem:s16+$0xA0]  }
0x202: {  	[tilespmem:s14+$0xFFFFFF90] =	vst v5;
	v5 =	vld [tilespmem:s16+$0x10];
	v2 =	vmax.f32 v2, $0.0e+00  }
0x203: {  	v8 =	vld [tilespmem:s28+$0xFFFFFFA0];
	[tilespmem:s12+$0xFFFFFF60] =	vst v2  }
0x204: {  	v2 =	vadd.f32 v6, v4;
	v4 =	vld [tilespmem:s16+$0xFFFFFFA0]  }
0x205: {  	v6 =	vld [tilespmem:s17+$0xFFFFFFE0]  }
0x206: {  	v2 =	vmax.f32 v2, $0.0e+00;
	v1 =	vadd.f32 v7, v1;
	v7 =	vld [tilespmem:s15+$0x60]  }
0x207: {  	[tilespmem:s14+$0xFFFFFF10] =	vst v2;
	v0 =	vadd.f32 v5, v0;
	v2 =	vld [tilespmem:s17+$0x60]  }
0x208: {  	v5 =	vld [tilespmem:s28+$0xFFFFFF20];
	v1 =	vmax.f32 v1, $0.0e+00  }
0x209: {  	v9 =	vld [tilespmem:s16+$0xFFFFFF20];
	v4 =	vadd.f32 v4, v8;
	v0 =	vmax.f32 v0, $0.0e+00;
	[tilespmem:s14+$0xA0] =	vst v1  }
0x20a: {  	[tilespmem:s14+$0x10] =	vst v0;
	v0 =	vld [tilespmem:s28+$0xB0];
	v1 =	vadd.f32 v6, v3  }
0x20b: {  	v3 =	vmax.f32 v4, $0.0e+00;
	v4 =	vld [tilespmem:s16+$0xB0]  }
0x20c: {  	[tilespmem:s14+$0xFFFFFFA0] =	vst v3;
	v3 =	vld [tilespmem:s28+$0x20];
	v1 =	vmax.f32 v1, $0.0e+00;
	v2 =	vadd.f32 v2, v7  }
0x20d: {  	v6 =	vld [tilespmem:s16+$0x20];
	[tilespmem:s12+$0xFFFFFFE0] =	vst v1  }
0x20e: {  	v1 =	vadd.f32 v9, v5;
	v5 =	vld [tilespmem:s28+$0xFFFFFFB0];
	v2 =	vmax.f32 v2, $0.0e+00  }
0x20f: {  	v7 =	vld [tilespmem:s16+$0xFFFFFFB0];
	[tilespmem:s12+$0x60] =	vst v2  }
0x210: {  	v1 =	vmax.f32 v1, $0.0e+00;
	v0 =	vadd.f32 v4, v0;
	v2 =	vld [tilespmem:s15+$0xFFFFFF70]  }
0x211: {  	[tilespmem:s14+$0xFFFFFF20] =	vst v1;
	v1 =	vld [tilespmem:s17+$0xFFFFFF70]  }
0x212: {  	v4 =	vld [tilespmem:s28+$0xFFFFFF30];
	v3 =	vadd.f32 v6, v3;
	v0 =	vmax.f32 v0, $0.0e+00  }
0x213: {  	v6 =	vld [tilespmem:s16+$0xFFFFFF30];
	[tilespmem:s14+$0xB0] =	vst v0  }
0x214: {  	v0 =	vadd.f32 v7, v5;
	v3 =	vmax.f32 v3, $0.0e+00;
	v5 =	vld [tilespmem:s28+$0xC0]  }
0x215: {  	[tilespmem:s14+$0x20] =	vst v3;
	v3 =	vld [tilespmem:s16+$0xC0]  }
0x216: {  	v0 =	vmax.f32 v0, $0.0e+00;
	v7 =	vld [tilespmem:s28+$0x30];
	v1 =	vadd.f32 v1, v2  }
0x217: {  	[tilespmem:s14+$0xFFFFFFB0] =	vst v0;
	v0 =	vld [tilespmem:s16+$0x30]  }
0x218: {  	v2 =	vadd.f32 v6, v4;
	v4 =	vld [tilespmem:s28+$0xFFFFFFC0];
	v1 =	vmax.f32 v1, $0.0e+00  }
0x219: {  	v6 =	vld [tilespmem:s16+$0xFFFFFFC0];
	[tilespmem:s12+$0xFFFFFF70] =	vst v1  }
0x21a: {  	v1 =	vmax.f32 v2, $0.0e+00;
	v2 =	vadd.f32 v3, v5;
	v3 =	vld [tilespmem:s15+$0xFFFFFFF0]  }
0x21b: {  	[tilespmem:s14+$0xFFFFFF30] =	vst v1;
	v1 =	vld [tilespmem:s17+$0xFFFFFFF0]  }
0x21c: {  	v5 =	vld [tilespmem:s28+$0xFFFFFF40];
	v0 =	vadd.f32 v0, v7;
	v2 =	vmax.f32 v2, $0.0e+00  }
0x21d: {  	v7 =	vld [tilespmem:s16+$0xFFFFFF40];
	[tilespmem:s14+$0xC0] =	vst v2  }
0x21e: {  	v2 =	vadd.f32 v6, v4;
	v0 =	vmax.f32 v0, $0.0e+00;
	v4 =	vld [tilespmem:s28+$0xD0]  }
0x21f: {  	[tilespmem:s14+$0x30] =	vst v0;
	v0 =	vld [tilespmem:s16+$0xD0]  }
0x220: {  	v2 =	vmax.f32 v2, $0.0e+00;
	v6 =	vld [tilespmem:s28+$0x40];
	v1 =	vadd.f32 v1, v3  }
0x221: {  	[tilespmem:s14+$0xFFFFFFC0] =	vst v2;
	v3 =	vld [tilespmem:s16+$0x40]  }
0x222: {  	v2 =	vadd.f32 v7, v5;
	v5 =	vld [tilespmem:s28+$0xFFFFFFD0];
	v1 =	vmax.f32 v1, $0.0e+00  }
0x223: {  	v7 =	vld [tilespmem:s16+$0xFFFFFFD0];
	[tilespmem:s12+$0xFFFFFFF0] =	vst v1  }
0x224: {  	v1 =	vmax.f32 v2, $0.0e+00;
	v0 =	vadd.f32 v0, v4;
	v8 =	vld [tilespmem:s15+$0x70];
	s15 =	smov.u32 s28  }
0x225: {  	[tilespmem:s14+$0xFFFFFF40] =	vst v1;
	v9 =	vld [tilespmem:s17+$0x70];
	s17 =	smov.u32 s16  }
0x226: {  	v2 =	vld [tilespmem:s28+$0xFFFFFF50];
	v1 =	vadd.f32 v3, v6;
	v0 =	vmax.f32 v0, $0.0e+00  }
.Ltmp5:
0x227: {  	v4 =	vld [tilespmem:s16+$0xFFFFFF50];
	[tilespmem:s14+$0xD0] =	vst v0;
	(pc) =	sbr.rel @p1 .LBB2_10-.Ltmp5, $4  }
0x228: {  	v0 =	vadd.f32 v7, v5;
	v3 =	vmax.f32 v1, $0.0e+00;
	v1 =	vld [tilespmem:s28+$0xE0]  }
0x229: {  	[tilespmem:s14+$0x40] =	vst v3;
	v3 =	vld [tilespmem:s16+$0xE0]  }
0x22a: {  	v6 =	vmax.f32 v0, $0.0e+00;
	v5 =	vld [tilespmem:s28+$0x50];
	v0 =	vadd.f32 v9, v8  }
0x22b: {  	s28 =	sadd.s32 $0x200, s28;
	[tilespmem:s14+$0xFFFFFFD0] =	vst v6;
	v6 =	vld [tilespmem:s16+$0x50]  }
0x22c: {  	_ =	sdelay $0x1  }
0x22d: {  	v2 =	vadd.f32 v4, v2;
	_ =	sdelay $0x1  }
0x22e: {  	v50 =	vld [tilespmem:s15+$0xFFFFFFE0];
	v2 =	vmax.f32 v2, $0.0e+00;
	v47 =	vadd.f32 v6, v5  }
0x22f: {  	v51 =	vld [tilespmem:s17+$0xFFFFFFE0];
	[tilespmem:s14+$0xFFFFFF50] =	vst v2  }
0x230: {  	v48 =	vld [tilespmem:s15+$0xFFFFFF60];
	v2 =	vmax.f32 v47, $0.0e+00  }
0x231: {  	v49 =	vld [tilespmem:s17+$0xFFFFFF60];
	[tilespmem:s14+$0x50] =	vst v2  }
0x232: {  	v1 =	vadd.f32 v3, v1;
	v52 =	vld [tilespmem:s15+$0x60]  }
0x233: {  	v7 =	vld [tilespmem:s17+$0x60]  }
0x234: {  	v1 =	vmax.f32 v1, $0.0e+00;
	v2 =	vadd.f32 v51, v50  }
0x235: {  	[tilespmem:s14+$0xE0] =	vst v1  }
0x236: {  	v1 =	vld [tilespmem:s15+$0xF0];
	v4 =	vadd.f32 v49, v48;
	v2 =	vmax.f32 v2, $0.0e+00  }
0x237: {  	v53 =	vld [tilespmem:s17+$0xF0];
	[tilespmem:s14+$0xFFFFFFE0] =	vst v2  }
0x238: {  	v4 =	vmax.f32 v4, $0.0e+00;
	v55 =	vld [tilespmem:s15+$0xFFFFFFF0];
	v3 =	vadd.f32 v7, v52  }
0x239: {  	v56 =	vld [tilespmem:s17+$0xFFFFFFF0];
	[tilespmem:s14+$0xFFFFFF60] =	vst v4  }
0x23a: {  	v4 =	vld [tilespmem:s15+$0xFFFFFF70];
	v3 =	vmax.f32 v3, $0.0e+00  }
0x23b: {  	v54 =	vld [tilespmem:s17+$0xFFFFFF70];
	[tilespmem:s14+$0x60] =	vst v3  }
0x23c: {  	v57 =	vld [tilespmem:s15+$0x70]  }
0x23d: {  	v8 =	vld [tilespmem:s17+$0x70];
	_ =	sdelay $0x1  }
0x23e: {  	v1 =	vadd.f32 v53, v1  }
0x23f: {  	v0 =	vmax.f32 v0, $0.0e+00;
	v59 =	vadd.f32 v56, v55  }
0x240: {  	[tilespmem:s12+$0x70] =	vst v0;
	v58 =	vmax.f32 v1, $0.0e+00;
	v2 =	vadd.f32 v54, v4  }
0x241: {  	p1 =	sne.s32 s10, $0x0;
	s10 =	sadd.s32 $0x3, s11;
	[tilespmem:s14+$0xF0] =	vst v58;
	v62 =	vmax.f32 v59, $0.0e+00;
	v61 =	vadd.f32 v8, v57  }
0x242: {  	s12 =	sadd.s32 @p2 s13, s10;
	[tilespmem:s14+$0xFFFFFFF0] =	vst v62;
	v60 =	vmax.f32 v2, $0.0e+00  }
0x243: {  	s11 =	simm.s32 @!p1 $0x28;
	s10 =	sadd.s32 @p0 s13, s10;
	s16 =	smul.u32 @p2 $0x5, s12;
	[tilespmem:s14+$0xFFFFFF70] =	vst v60;
	v63 =	vmax.f32 v61, $0.0e+00  }
0x244: {  	s12 =	smul.u32 @p2 $0x280, s12;
	s15 =	simm.s32 @!p1 $0x6700;
	[tilespmem:s14+$0x70] =	vst v63;
	s14 =	simm.s32 @!p1 $0x180  }
0x245: {  	[spmem:s4] =	stream.indirect.scatter.add.f32 @!p1 [tilespmem:s15], [sflag:$0x6], $0x80, s14, s11, $0xb8;
	[tilespmem:$0x1B700] =	vst v63  }
0x246: {  	s11 =	sadd.s32 @p2 s7, s16;
	s14 =	simm.s32 @p2 $0x0;
	s15 =	simm.s32 @p2 $0x80  }
0x247: {  	[tilespmem:s15], [sflag:$0x2] =	stream.linear.gather @p2 [hbm4b:s11+s14], $0x28, $0x38;
	[tilespmem:$0x1B700] =	vst v63  }
0x248: {  	s11 =	sadd.s32 @p2 s3, s12;
	s12 =	simm.s32 @p2 $0x3F00;
	s15 =	smul.u32 @p0 $0x5, s10  }
0x249: {  	[tilespmem:s12], [sflag:$0x2] =	stream.linear.gather @p2 [hbm4b:s11+s14], $0x1400, $0x38;
	[tilespmem:$0x1B700] =	vst v63  }
0x24a: {  	s10 =	smul.u32 @p0 $0x280, s10;
	s11 =	sadd.s32 @p2 s2, s16;
	s12 =	simm.s32 @p2 $0x280  }
0x24b: {  	[tilespmem:s12], [sflag:$0xA] =	stream.linear.gather @p2 [hbm4b:s11+s14], $0x28, $0x38;
	[tilespmem:$0x1B700] =	vst v63  }
0x24c: {  	s11 =	simm.s32 @p0 $0x28;
	s12 =	simm.s32 @p0 $0x280;
	s14 =	simm.s32 @p0 $0x6700  }
0x24d: {  	[spmem:s4] =	stream.indirect.scatter.add.f32 @p0 [tilespmem:s14], [sflag:$0x6], $0x80, s12, s11, $0xb8;
	[tilespmem:$0x1B700] =	vst v63  }
0x24e: {  	s11 =	sadd.s32 @p0 s7, s15;
	s12 =	simm.s32 @p0 $0x0;
	s14 =	simm.s32 @p0 $0x80  }
0x24f: {  	[tilespmem:s14], [sflag:$0x2] =	stream.linear.gather @p0 [hbm4b:s11+s12], $0x28, $0x38;
	[tilespmem:$0x1B700] =	vst v63  }
0x250: {  	s10 =	sadd.s32 @p0 s3, s10;
	s11 =	simm.s32 @p0 $0x3F00  }
0x251: {  	[tilespmem:s11], [sflag:$0x2] =	stream.linear.gather @p0 [hbm4b:s10+s12], $0x1400, $0x38;
	[tilespmem:$0x1B700] =	vst v63  }
0x252: {  	s8 =	sadd.s32 $0x1, s8;
	s10 =	sadd.s32 @p0 s2, s15;
	s11 =	simm.s32 @p0 $0x180  }
0x253: {  	[tilespmem:s11], [sflag:$0x8] =	stream.linear.gather @p0 [hbm4b:s10+s12], $0x28, $0x38;
	[tilespmem:$0x1B700] =	vst v63  }
0x254: {  	p0 =	sne.s32 s8, $0x7D  }
.Ltmp6:
0x255: {  	_ = 	snop;
	(pc) =	sbr.rel @p0 .LBB2_2-.Ltmp6, $4  }
.Ltmp7:
0x256: {  	_ = 	snop;
	(pc) =	sbr.rel @!p0 .LBB2_12-.Ltmp7, $4  }
0x257: {  	_ = 	snop  }
0x258: {  	_ = 	snop  }
0x259: {  	_ = 	snop  }
0x25a: {  	_ = 	snop  }
.LBB2_4:
.Ltmp8:
0x25b: {  	(pc) =	sbr.rel .LBB2_7-.Ltmp8, $2  }
0x25c: {  	_ =	sdelay $0x2  }
0x25d: {  	p0 =	por $0x0, $0x0;
	p1 =	por $0x0, $0x0  }
.LBB2_13:
0x25e: {  	_ =	sfence.sel $0x180000  }
0x25f: {  	[bflag:$0x0] =	sbarrier.arrive $0xFFFF  }
0x260: {  	_ =	strace $0x90000047  }
0x261: {  	s0 =	stileid.u32;
	[bflag:$0x2] =	sbarrier.arrive $0xFFFF  }
0x262: {  	p0 =	sne.s32 s0, $0x0;
	s0 =	rddreg [dreg:$0x5]  }
0x263: {  	s0 =	sadd.s32 @!p0 $0x100000, s0  }
0x264: {  	[sflag:s0] =	ssyncadd.tile.s32 @!p0 $0x1;
	_ =	shalt  }
.Lfunc_end2:
_tile_overlayer_lowered:
.L_overlay_start_2:
0x265: {  	(tag) =	ssettag $0x2  }
0x266: {  	s0 =	rddreg [dreg:$0x0];
	s2 =	stileid.u32  }
0x267: {  	s1 =	rddreg [dreg:$0x1];
	p0 =	sne.s32 s2, $0x0  }
0x268: {  	s3 =	rddreg [dreg:$0x2];
	[bflag:$0x3] =	sbarrier.arrive $0xFFFF;
	s2 =	simm.s32 @!p0 $0x1C0B  }
0x269: {  	[timem:s3], [sflag:s2] =	dma.local @!p0 [hbm:s0], s1  }
0x26a: {  	s0 =	simm.s32 @!p0 $0xB  }
0x26b: {  	_ =	swait.ge @!p0 [sflag:s0], s1  }
0x26c: {  	s1 =	ssub.s32 @!p0 $0x0, s1;
	[sflag:s0] =	ssyncset.done @!p0 $0x0  }
0x26d: {  	[sflag:s0] =	ssyncadd.s32 @!p0 s1  }
0x26e: {  	[bflag:$0x3] =	sbarrier.arrive $0xFFFF  }
0x26f: {  	_ =	shalt  }

</sc_bundles>
